<compile_context>
chip_gen: v7x
topology: tpu7x:2x2x1
jax: 0.10.2.dev20260603
libtpu: 0.0.44.dev20260713+nightly
codegen_flags: <defaults>
</compile_context>

<pallas_src>
import functools

import jax
import jax.experimental.shard_map
import jax.numpy as jnp
import numpy as np
from jax import lax
from jax.experimental import pallas as pl
from jax.experimental.pallas import tpu as pltpu
from jax.experimental.pallas import tpu_sc as plsc
from jax.sharding import Mesh, PartitionSpec as P

_N = 16384
_M = _N // 4
_K = 16
_F = 64
_RB = 64


def _fps_kernel(pts_s_ref, pts_ref, px_ref, py_ref, pz_ref, qp_ref):
    px = px_ref[:, :]
    py = py_ref[:, :]
    pz = pz_ref[:, :]
    iota = (jax.lax.broadcasted_iota(jnp.int32, (8, 2048), 0) * 2048
            + jax.lax.broadcasted_iota(jnp.int32, (8, 2048), 1)
            ).astype(jnp.float32)
    dists0 = jnp.full((8, 2048), jnp.inf, dtype=jnp.float32)

    def body(i, carry):
        dists, idx = carry
        lx = pts_s_ref[0, idx]
        ly = pts_s_ref[1, idx]
        lz = pts_s_ref[2, idx]
        row = pts_ref[pl.ds(idx, 1), :]
        qp_ref[pl.ds(i - 1, 1), :] = row
        dx = px - lx
        dy = py - ly
        dz = pz - lz
        d = dx * dx + dz * dz
        d = d + dy * dy
        dists = jnp.minimum(dists, d)
        m1 = jnp.max(dists, axis=1, keepdims=True)
        m = jnp.max(m1)
        cand = jnp.where(dists == m, iota, jnp.float32(_N))
        c1 = jnp.min(cand, axis=1, keepdims=True)
        nxt = jnp.min(c1).astype(jnp.int32)
        return dists, nxt

    _, idx = jax.lax.fori_loop(1, _M, body, (dists0, jnp.int32(0)))
    row = pts_ref[pl.ds(idx, 1), :]
    qp_ref[pl.ds(_M - 1, 1), :] = row


def _topk_kernel(qp_ref, px_ref, py_ref, pz_ref, idx_ref, d_ref):
    qp = qp_ref[:, :]
    qx = qp[:, 0:1]
    qy = qp[:, 1:2]
    qz = qp[:, 2:3]
    px = px_ref[:, :]
    py = py_ref[:, :]
    pz = pz_ref[:, :]
    qq = qx * qx + qz * qz
    qq = qq + qy * qy
    pp = px * px + pz * pz
    pp = pp + py * py
    qxb = qx.astype(jnp.bfloat16).astype(jnp.float32)
    qyb = qy.astype(jnp.bfloat16).astype(jnp.float32)
    qzb = qz.astype(jnp.bfloat16).astype(jnp.float32)
    pxb = px.astype(jnp.bfloat16).astype(jnp.float32)
    pyb = py.astype(jnp.bfloat16).astype(jnp.float32)
    pzb = pz.astype(jnp.bfloat16).astype(jnp.float32)
    t = qxb * pxb + qyb * pyb
    t = t + qzb * pzb
    d_ref[:, :] = (qq - 2.0 * t) + pp
    iota = jax.lax.broadcasted_iota(
        jnp.int32, (_RB, _N), 1).astype(jnp.float32)
    cols = []
    for _ in range(_K):
        dcur = d_ref[:, :]
        m = jnp.min(dcur, axis=1, keepdims=True)
        cand = jnp.where(dcur == m, iota, jnp.float32(_N))
        sel = jnp.min(cand, axis=1, keepdims=True)
        cols.append(sel)
        d_ref[:, :] = jnp.where(iota == sel, jnp.inf, dcur)
    idx_ref[:, :] = jnp.concatenate(cols, axis=1).astype(jnp.int32)


_NW = 32
_CQ = 32
_CR = _CQ * _K


def _make_sc_pool(m):
    q_per_w = m // _NW
    n_chunks = q_per_w // _CQ

    def body(feats_hbm, idx_hbm, out_hbm, idx_v, rows_v, pooled_v, sem):
        wid = lax.axis_index("s") * 2 + lax.axis_index("c")
        qbase = wid * q_per_w

        def chunk(c, carry):
            q0 = qbase + c * _CQ
            pltpu.sync_copy(idx_hbm.at[pl.ds(q0 * _K, _CR)], idx_v)
            pltpu.async_copy(feats_hbm.at[idx_v], rows_v, sem).wait()

            def qbody(qi, carry2):
                r0 = qi * _K
                for g in range(_F // 16):
                    acc = rows_v[r0, pl.ds(g * 16, 16)]
                    for k in range(1, _K):
                        acc = jnp.maximum(
                            acc, rows_v[r0 + k, pl.ds(g * 16, 16)])
                    pooled_v[qi, pl.ds(g * 16, 16)] = acc
                return carry2

            lax.fori_loop(0, _CQ, qbody, 0)
            pltpu.sync_copy(pooled_v, out_hbm.at[pl.ds(q0, _CQ)])
            return carry

        lax.fori_loop(0, n_chunks, chunk, 0)

    return functools.partial(
        pl.kernel,
        mesh=plsc.VectorSubcoreMesh(core_axis_name="c", subcore_axis_name="s"),
        out_type=jax.ShapeDtypeStruct((m, _F), jnp.float32),
        scratch_types=[
            pltpu.VMEM((_CR,), jnp.int32),
            pltpu.VMEM((_CR, 128), jnp.float32),
            pltpu.VMEM((_CQ, _F), jnp.float32),
            pltpu.SemaphoreType.DMA,
        ],
    )(body)


_sc_pool_full = _make_sc_pool(_M)
_sc_pool_half = _make_sc_pool(_M // 2)


def _pipeline(x, pid, parts):
    mq = _M // parts
    pts = x[:, :3]
    feats = x[:, 3:]
    pts_pad = jnp.pad(pts, ((0, 0), (0, 5)))
    px = pts[:, 0].reshape(8, 2048)
    py = pts[:, 1].reshape(8, 2048)
    pz = pts[:, 2].reshape(8, 2048)
    px_l = pts[:, 0].reshape(1, _N)
    py_l = pts[:, 1].reshape(1, _N)
    pz_l = pts[:, 2].reshape(1, _N)

    pts_s = jnp.transpose(pts)
    qp = pl.pallas_call(
        _fps_kernel,
        in_specs=[
            pl.BlockSpec(memory_space=pltpu.SMEM),
            pl.BlockSpec(memory_space=pltpu.VMEM),
            pl.BlockSpec(memory_space=pltpu.VMEM),
            pl.BlockSpec(memory_space=pltpu.VMEM),
            pl.BlockSpec(memory_space=pltpu.VMEM),
        ],
        out_shape=jax.ShapeDtypeStruct((_M, 8), jnp.float32),
    )(pts_s, pts_pad, px, py, pz)

    qp_part = lax.dynamic_slice_in_dim(qp, pid * mq, mq)

    nn_idx = pl.pallas_call(
        _topk_kernel,
        grid=(mq // _RB,),
        in_specs=[
            pl.BlockSpec((_RB, 8), lambda i: (i, 0)),
            pl.BlockSpec((1, _N), lambda i: (0, 0)),
            pl.BlockSpec((1, _N), lambda i: (0, 0)),
            pl.BlockSpec((1, _N), lambda i: (0, 0)),
        ],
        out_specs=pl.BlockSpec((_RB, _K), lambda i: (i, 0)),
        out_shape=jax.ShapeDtypeStruct((mq, _K), jnp.int32),
        scratch_shapes=[pltpu.VMEM((_RB, _N), jnp.float32)],
    )(qp_part, px_l, py_l, pz_l)

    feats_pad = jnp.pad(feats, ((0, 0), (0, 128 - _F)))
    sc_pool = _sc_pool_full if parts == 1 else _sc_pool_half
    pooled = sc_pool(feats_pad, nn_idx.reshape(mq * _K))

    return jnp.concatenate([qp_part[:, :3], pooled], axis=1)


def kernel(x):
    devs = jax.devices()
    tpu_devs = [d for d in devs if d.platform == "tpu"]
    if len(tpu_devs) >= 2:
        mesh = Mesh(np.asarray(tpu_devs[:2]), ("tc",))
        f = jax.experimental.shard_map.shard_map(
            lambda xs: _pipeline(xs, lax.axis_index("tc"), 2),
            mesh=mesh, in_specs=P(), out_specs=P("tc", None),
            check_rep=False)
        return f(x)
    return _pipeline(x, 0, 1)

# --- scband reference (transcript-rebuilt; emitter-appended) ---
"""Pipeline reference for scband-fpspooling-module-50577534878087 (READ-ONLY COPY).

The authoritative reference and input builder live on the scoring server;
editing this copy changes nothing except your own understanding.
"""

import jax, jax.numpy as jnp
import numpy as np

N = 16384
CH = 67
POOLING_FACTOR = 4
K = 16


def fps_indices(points, M):
    n = points.shape[0]
    idxs0 = jnp.zeros((M,), dtype=jnp.int32)
    dists0 = jnp.full((n,), jnp.inf, dtype=points.dtype)

    def body(i, state):
        dists, idxs = state
        last = points[idxs[i - 1]]
        d = jnp.sum((points - last[None, :]) ** 2, axis=1)
        dists = jnp.minimum(dists, d)
        nxt = jnp.argmax(dists).astype(jnp.int32)
        idxs = idxs.at[i].set(nxt)
        return (dists, idxs)

    _, idxs = jax.lax.fori_loop(1, M, body, (dists0, idxs0))
    return idxs


def setup_inputs(seed: int = 0) -> dict:
    key = jax.random.key(seed)
    x = jax.random.normal(key, (N, CH), dtype=jnp.float32)
    return {"x": x}


def reference(x):
    pts = x[:, :3]
    feats = x[:, 3:]
    M = pts.shape[0] // POOLING_FACTOR
    # FPS sampling (deterministic start at index 0; indices are non-differentiable)
    idxs = fps_indices(jax.lax.stop_gradient(pts), M)
    q_points = pts[idxs]
    # kNN: squared euclidean distances between query points and all points
    d = (jnp.sum(q_points * q_points, axis=1)[:, None]
         - 2.0 * (q_points @ pts.T)
         + jnp.sum(pts * pts, axis=1)[None, :])
    _, nn_idx = jax.lax.top_k(-d, K)  # [M, K] nearest neighbor indices
    s_point_feats = feats[nn_idx]  # [M, K, F] gather
    pooled_points = jnp.max(s_point_feats, axis=1)  # feat_mapping='max'
    return jnp.concatenate([q_points, pooled_points], axis=-1)

if __name__ == "__main__":
    import jax
    _d = setup_inputs()
    print(jax.jit(kernel)(*tuple(_d.values())))

</pallas_src>

<mosaic_0001>
#map = affine_map<(d0, d1) -> (0, 0)>
#map1 = affine_map<(d0, d1) -> (0)>
module attributes {stable_mosaic.version = 14 : i64} {
  func.func @body(%arg0: i32, %arg1: i32, %arg2: memref<16384x128xf32, #tpu.memory_space<hbm>>, %arg3: memref<65536xi32, #tpu.memory_space<hbm>>, %arg4: memref<4096x64xf32, #tpu.memory_space<hbm>>, %arg5: memref<512xi32, #tpu.memory_space<vmem>>, %arg6: memref<512x128xf32, #tpu.memory_space<vmem>>, %arg7: memref<32x64xf32, #tpu.memory_space<vmem>>, %arg8: memref<!tpu.dma_semaphore, #tpu.memory_space<semaphore_mem>>) attributes {dimension_semantics = [#tpu.dimension_semantics<core_parallel>, #tpu.dimension_semantics<subcore_parallel>], iteration_bounds = array<i64: 2, 16>, scalar_prefetch = 0 : i64, scratch_operands = 4 : i64, tpu.core_type = #tpu.core_type<sc_vector_subcore>, window_params = [{transform_indices = #map}, {transform_indices = #map1}, {transform_indices = #map}]} {
    %mul3A = arith.constant 2 : i32
    %mul3A_0 = arith.muli %arg1, %mul3A : i32
    %add3A = arith.addi %mul3A_0, %arg0 : i32
    %mul3A_1 = arith.constant 128 : i32
    %mul3A_2 = arith.muli %add3A, %mul3A_1 : i32
    %scan3A = arith.constant 0 : i32
    %scan3A_3 = arith.constant 0 : i32
    %scan3A_4 = arith.constant 4 : i32
    %scan3A_5 = arith.addi %scan3A_3, %scan3A_4 : i32
    %scan3A_6 = arith.constant 1 : i32
    scf.for %scan3A_8 = %scan3A_3 to %scan3A_5 step %scan3A_6  : i32 {
      %mul3A_9 = arith.constant 32 : i32
      %mul3A_10 = arith.muli %scan3A_8, %mul3A_9 : i32
      %add3A_11 = arith.addi %mul3A_2, %mul3A_10 : i32
      %mul3A_12 = arith.constant 16 : i32
      %mul3A_13 = arith.muli %add3A_11, %mul3A_12 : i32
      "tpu.region"() ({
        %run_scoped3A = tpu.sem_alloc : memref<!tpu.dma_semaphore, #tpu.memory_space<semaphore_mem>>
        %dma_start3A_24 = tpu.memref_slice %arg3[%mul3A_13] : memref<65536xi32, #tpu.memory_space<hbm>> -> memref<512xi32, #tpu.memory_space<hbm>>
        %dma_start3A_25 = tpu.memref_slice %arg3[%mul3A_13] : memref<65536xi32, #tpu.memory_space<hbm>> -> memref<512xi32, #tpu.memory_space<hbm>>
        tpu.enqueue_dma source(%dma_start3A_25 : memref<512xi32, #tpu.memory_space<hbm>>) target(%arg5 : memref<512xi32, #tpu.memory_space<vmem>>) target_semaphore(%run_scoped3A : memref<!tpu.dma_semaphore, #tpu.memory_space<semaphore_mem>>)
        %dma_wait3A_26 = tpu.memref_slice %arg3[%mul3A_13] : memref<65536xi32, #tpu.memory_space<hbm>> -> memref<512xi32, #tpu.memory_space<hbm>>
        %dma_wait3A_27 = tpu.memref_slice %arg3[%mul3A_13] : memref<65536xi32, #tpu.memory_space<hbm>> -> memref<512xi32, #tpu.memory_space<hbm>>
        tpu.wait_dma2 semaphore(%run_scoped3A : memref<!tpu.dma_semaphore, #tpu.memory_space<semaphore_mem>>) src(%dma_wait3A_27 : memref<512xi32, #tpu.memory_space<hbm>>) dst(%arg5 : memref<512xi32, #tpu.memory_space<vmem>>)
        tpu.yield
      }) : () -> ()
      %dma_start3A = arith.constant 0 : i32
      %dma_start3A_14 = arith.constant 0 : i32
      %dma_start3A_15 = tpu.memref_slice %arg2[%dma_start3A, %dma_start3A_14] : memref<16384x128xf32, #tpu.memory_space<hbm>> -> memref<16384x128xf32, #tpu.memory_space<hbm>>
      tpu.enqueue_indirect_dma source(%dma_start3A_15 : memref<16384x128xf32, #tpu.memory_space<hbm>>) target(%arg6 : memref<512x128xf32, #tpu.memory_space<vmem>>) offsets(%arg5 : memref<512xi32, #tpu.memory_space<vmem>>) semaphore(%arg8 : memref<!tpu.dma_semaphore, #tpu.memory_space<semaphore_mem>>)
      %dma_wait3A = arith.constant 0 : i32
      %dma_wait3A_16 = arith.constant 0 : i32
      %dma_wait3A_17 = tpu.memref_slice %arg2[%dma_wait3A, %dma_wait3A_16] : memref<16384x128xf32, #tpu.memory_space<hbm>> -> memref<16384x128xf32, #tpu.memory_space<hbm>>
      tpu.wait_indirect_dma semaphore(%arg8 : memref<!tpu.dma_semaphore, #tpu.memory_space<semaphore_mem>>) src(%dma_wait3A_17 : memref<16384x128xf32, #tpu.memory_space<hbm>>) dst(%arg6 : memref<512x128xf32, #tpu.memory_space<vmem>>)
      %scan3A_18 = arith.constant 0 : i32
      %scan3A_19 = arith.constant 0 : i32
      %scan3A_20 = arith.constant 32 : i32
      %scan3A_21 = arith.addi %scan3A_19, %scan3A_20 : i32
      %scan3A_22 = arith.constant 1 : i32
      scf.for %scan3A_24 = %scan3A_19 to %scan3A_21 step %scan3A_22  : i32 {
        %mul3A_25 = arith.constant 16 : i32
        %mul3A_26 = arith.muli %scan3A_24, %mul3A_25 : i32
        %get3A = arith.index_cast %mul3A_26 : i32 to index
        %get3A_27 = arith.constant 0 : index
        %get3A_28 = tpu.vector_load %arg6[%get3A, %get3A_27] {strides = array<i32>} : memref<512x128xf32, #tpu.memory_space<vmem>>, vector<1x16xf32>,
        %get3A_29 = vector.shape_cast %get3A_28 : vector<1x16xf32> to vector<16xf32>
        %add3A_30 = arith.constant 1 : i32
        %add3A_31 = arith.addi %mul3A_26, %add3A_30 : i32
        %get3A_32 = arith.index_cast %add3A_31 : i32 to index
        %get3A_33 = arith.constant 0 : index
        %get3A_34 = tpu.vector_load %arg6[%get3A_32, %get3A_33] {strides = array<i32>} : memref<512x128xf32, #tpu.memory_space<vmem>>, vector<1x16xf32>,
        %get3A_35 = vector.shape_cast %get3A_34 : vector<1x16xf32> to vector<16xf32>
        %max3A = arith.maximumf %get3A_29, %get3A_35 : vector<16xf32>
        %add3A_36 = arith.constant 2 : i32
        %add3A_37 = arith.addi %mul3A_26, %add3A_36 : i32
        %get3A_38 = arith.index_cast %add3A_37 : i32 to index
        %get3A_39 = arith.constant 0 : index
        %get3A_40 = tpu.vector_load %arg6[%get3A_38, %get3A_39] {strides = array<i32>} : memref<512x128xf32, #tpu.memory_space<vmem>>, vector<1x16xf32>,
        %get3A_41 = vector.shape_cast %get3A_40 : vector<1x16xf32> to vector<16xf32>
        %max3A_42 = arith.maximumf %max3A, %get3A_41 : vector<16xf32>
        %add3A_43 = arith.constant 3 : i32
        %add3A_44 = arith.addi %mul3A_26, %add3A_43 : i32
        %get3A_45 = arith.index_cast %add3A_44 : i32 to index
        %get3A_46 = arith.constant 0 : index
        %get3A_47 = tpu.vector_load %arg6[%get3A_45, %get3A_46] {strides = array<i32>} : memref<512x128xf32, #tpu.memory_space<vmem>>, vector<1x16xf32>,
        %get3A_48 = vector.shape_cast %get3A_47 : vector<1x16xf32> to vector<16xf32>
        %max3A_49 = arith.maximumf %max3A_42, %get3A_48 : vector<16xf32>
        %add3A_50 = arith.constant 4 : i32
        %add3A_51 = arith.addi %mul3A_26, %add3A_50 : i32
        %get3A_52 = arith.index_cast %add3A_51 : i32 to index
        %get3A_53 = arith.constant 0 : index
        %get3A_54 = tpu.vector_load %arg6[%get3A_52, %get3A_53] {strides = array<i32>} : memref<512x128xf32, #tpu.memory_space<vmem>>, vector<1x16xf32>,
        %get3A_55 = vector.shape_cast %get3A_54 : vector<1x16xf32> to vector<16xf32>
        %max3A_56 = arith.maximumf %max3A_49, %get3A_55 : vector<16xf32>
        %add3A_57 = arith.constant 5 : i32
        %add3A_58 = arith.addi %mul3A_26, %add3A_57 : i32
        %get3A_59 = arith.index_cast %add3A_58 : i32 to index
        %get3A_60 = arith.constant 0 : index
        %get3A_61 = tpu.vector_load %arg6[%get3A_59, %get3A_60] {strides = array<i32>} : memref<512x128xf32, #tpu.memory_space<vmem>>, vector<1x16xf32>,
        %get3A_62 = vector.shape_cast %get3A_61 : vector<1x16xf32> to vector<16xf32>
        %max3A_63 = arith.maximumf %max3A_56, %get3A_62 : vector<16xf32>
        %add3A_64 = arith.constant 6 : i32
        %add3A_65 = arith.addi %mul3A_26, %add3A_64 : i32
        %get3A_66 = arith.index_cast %add3A_65 : i32 to index
        %get3A_67 = arith.constant 0 : index
        %get3A_68 = tpu.vector_load %arg6[%get3A_66, %get3A_67] {strides = array<i32>} : memref<512x128xf32, #tpu.memory_space<vmem>>, vector<1x16xf32>,
        %get3A_69 = vector.shape_cast %get3A_68 : vector<1x16xf32> to vector<16xf32>
        %max3A_70 = arith.maximumf %max3A_63, %get3A_69 : vector<16xf32>
        %add3A_71 = arith.constant 7 : i32
        %add3A_72 = arith.addi %mul3A_26, %add3A_71 : i32
        %get3A_73 = arith.index_cast %add3A_72 : i32 to index
        %get3A_74 = arith.constant 0 : index
        %get3A_75 = tpu.vector_load %arg6[%get3A_73, %get3A_74] {strides = array<i32>} : memref<512x128xf32, #tpu.memory_space<vmem>>, vector<1x16xf32>,
        %get3A_76 = vector.shape_cast %get3A_75 : vector<1x16xf32> to vector<16xf32>
        %max3A_77 = arith.maximumf %max3A_70, %get3A_76 : vector<16xf32>
        %add3A_78 = arith.constant 8 : i32
        %add3A_79 = arith.addi %mul3A_26, %add3A_78 : i32
        %get3A_80 = arith.index_cast %add3A_79 : i32 to index
        %get3A_81 = arith.constant 0 : index
        %get3A_82 = tpu.vector_load %arg6[%get3A_80, %get3A_81] {strides = array<i32>} : memref<512x128xf32, #tpu.memory_space<vmem>>, vector<1x16xf32>,
        %get3A_83 = vector.shape_cast %get3A_82 : vector<1x16xf32> to vector<16xf32>
        %max3A_84 = arith.maximumf %max3A_77, %get3A_83 : vector<16xf32>
        %add3A_85 = arith.constant 9 : i32
        %add3A_86 = arith.addi %mul3A_26, %add3A_85 : i32
        %get3A_87 = arith.index_cast %add3A_86 : i32 to index
        %get3A_88 = arith.constant 0 : index
        %get3A_89 = tpu.vector_load %arg6[%get3A_87, %get3A_88] {strides = array<i32>} : memref<512x128xf32, #tpu.memory_space<vmem>>, vector<1x16xf32>,
        %get3A_90 = vector.shape_cast %get3A_89 : vector<1x16xf32> to vector<16xf32>
        %max3A_91 = arith.maximumf %max3A_84, %get3A_90 : vector<16xf32>
        %add3A_92 = arith.constant 10 : i32
        %add3A_93 = arith.addi %mul3A_26, %add3A_92 : i32
        %get3A_94 = arith.index_cast %add3A_93 : i32 to index
        %get3A_95 = arith.constant 0 : index
        %get3A_96 = tpu.vector_load %arg6[%get3A_94, %get3A_95] {strides = array<i32>} : memref<512x128xf32, #tpu.memory_space<vmem>>, vector<1x16xf32>,
        %get3A_97 = vector.shape_cast %get3A_96 : vector<1x16xf32> to vector<16xf32>
        %max3A_98 = arith.maximumf %max3A_91, %get3A_97 : vector<16xf32>
        %add3A_99 = arith.constant 11 : i32
        %add3A_100 = arith.addi %mul3A_26, %add3A_99 : i32
        %get3A_101 = arith.index_cast %add3A_100 : i32 to index
        %get3A_102 = arith.constant 0 : index
        %get3A_103 = tpu.vector_load %arg6[%get3A_101, %get3A_102] {strides = array<i32>} : memref<512x128xf32, #tpu.memory_space<vmem>>, vector<1x16xf32>,
        %get3A_104 = vector.shape_cast %get3A_103 : vector<1x16xf32> to vector<16xf32>
        %max3A_105 = arith.maximumf %max3A_98, %get3A_104 : vector<16xf32>
        %add3A_106 = arith.constant 12 : i32
        %add3A_107 = arith.addi %mul3A_26, %add3A_106 : i32
        %get3A_108 = arith.index_cast %add3A_107 : i32 to index
        %get3A_109 = arith.constant 0 : index
        %get3A_110 = tpu.vector_load %arg6[%get3A_108, %get3A_109] {strides = array<i32>} : memref<512x128xf32, #tpu.memory_space<vmem>>, vector<1x16xf32>,
        %get3A_111 = vector.shape_cast %get3A_110 : vector<1x16xf32> to vector<16xf32>
        %max3A_112 = arith.maximumf %max3A_105, %get3A_111 : vector<16xf32>
        %add3A_113 = arith.constant 13 : i32
        %add3A_114 = arith.addi %mul3A_26, %add3A_113 : i32
        %get3A_115 = arith.index_cast %add3A_114 : i32 to index
        %get3A_116 = arith.constant 0 : index
        %get3A_117 = tpu.vector_load %arg6[%get3A_115, %get3A_116] {strides = array<i32>} : memref<512x128xf32, #tpu.memory_space<vmem>>, vector<1x16xf32>,
        %get3A_118 = vector.shape_cast %get3A_117 : vector<1x16xf32> to vector<16xf32>
        %max3A_119 = arith.maximumf %max3A_112, %get3A_118 : vector<16xf32>
        %add3A_120 = arith.constant 14 : i32
        %add3A_121 = arith.addi %mul3A_26, %add3A_120 : i32
        %get3A_122 = arith.index_cast %add3A_121 : i32 to index
        %get3A_123 = arith.constant 0 : index
        %get3A_124 = tpu.vector_load %arg6[%get3A_122, %get3A_123] {strides = array<i32>} : memref<512x128xf32, #tpu.memory_space<vmem>>, vector<1x16xf32>,
        %get3A_125 = vector.shape_cast %get3A_124 : vector<1x16xf32> to vector<16xf32>
        %max3A_126 = arith.maximumf %max3A_119, %get3A_125 : vector<16xf32>
        %add3A_127 = arith.constant 15 : i32
        %add3A_128 = arith.addi %mul3A_26, %add3A_127 : i32
        %get3A_129 = arith.index_cast %add3A_128 : i32 to index
        %get3A_130 = arith.constant 0 : index
        %get3A_131 = tpu.vector_load %arg6[%get3A_129, %get3A_130] {strides = array<i32>} : memref<512x128xf32, #tpu.memory_space<vmem>>, vector<1x16xf32>,
        %get3A_132 = vector.shape_cast %get3A_131 : vector<1x16xf32> to vector<16xf32>
        %max3A_133 = arith.maximumf %max3A_126, %get3A_132 : vector<16xf32>
        %swap3A = arith.index_cast %scan3A_24 : i32 to index
        %swap3A_134 = arith.constant 0 : index
        %swap3A_135 = tpu.vector_load %arg7[%swap3A, %swap3A_134] {strides = array<i32>} : memref<32x64xf32, #tpu.memory_space<vmem>>, vector<1x16xf32>,
        %swap3A_136 = vector.shape_cast %swap3A_135 : vector<1x16xf32> to vector<16xf32>
        %swap3A_137 = vector.shape_cast %max3A_133 : vector<16xf32> to vector<1x16xf32>
        tpu.vector_store %arg7[%swap3A, %swap3A_134], %swap3A_137 {strides = array<i32>} : memref<32x64xf32, #tpu.memory_space<vmem>>, vector<1x16xf32>,
        %get3A_138 = arith.index_cast %mul3A_26 : i32 to index
        %get3A_139 = arith.constant 16 : index
        %get3A_140 = tpu.vector_load %arg6[%get3A_138, %get3A_139] {strides = array<i32>} : memref<512x128xf32, #tpu.memory_space<vmem>>, vector<1x16xf32>,
        %get3A_141 = vector.shape_cast %get3A_140 : vector<1x16xf32> to vector<16xf32>
        %add3A_142 = arith.constant 1 : i32
        %add3A_143 = arith.addi %mul3A_26, %add3A_142 : i32
        %get3A_144 = arith.index_cast %add3A_143 : i32 to index
        %get3A_145 = arith.constant 16 : index
        %get3A_146 = tpu.vector_load %arg6[%get3A_144, %get3A_145] {strides = array<i32>} : memref<512x128xf32, #tpu.memory_space<vmem>>, vector<1x16xf32>,
        %get3A_147 = vector.shape_cast %get3A_146 : vector<1x16xf32> to vector<16xf32>
        %max3A_148 = arith.maximumf %get3A_141, %get3A_147 : vector<16xf32>
        %add3A_149 = arith.constant 2 : i32
        %add3A_150 = arith.addi %mul3A_26, %add3A_149 : i32
        %get3A_151 = arith.index_cast %add3A_150 : i32 to index
        %get3A_152 = arith.constant 16 : index
        %get3A_153 = tpu.vector_load %arg6[%get3A_151, %get3A_152] {strides = array<i32>} : memref<512x128xf32, #tpu.memory_space<vmem>>, vector<1x16xf32>,
        %get3A_154 = vector.shape_cast %get3A_153 : vector<1x16xf32> to vector<16xf32>
        %max3A_155 = arith.maximumf %max3A_148, %get3A_154 : vector<16xf32>
        %add3A_156 = arith.constant 3 : i32
        %add3A_157 = arith.addi %mul3A_26, %add3A_156 : i32
        %get3A_158 = arith.index_cast %add3A_157 : i32 to index
        %get3A_159 = arith.constant 16 : index
        %get3A_160 = tpu.vector_load %arg6[%get3A_158, %get3A_159] {strides = array<i32>} : memref<512x128xf32, #tpu.memory_space<vmem>>, vector<1x16xf32>,
        %get3A_161 = vector.shape_cast %get3A_160 : vector<1x16xf32> to vector<16xf32>
        %max3A_162 = arith.maximumf %max3A_155, %get3A_161 : vector<16xf32>
        %add3A_163 = arith.constant 4 : i32
        %add3A_164 = arith.addi %mul3A_26, %add3A_163 : i32
        %get3A_165 = arith.index_cast %add3A_164 : i32 to index
        %get3A_166 = arith.constant 16 : index
        %get3A_167 = tpu.vector_load %arg6[%get3A_165, %get3A_166] {strides = array<i32>} : memref<512x128xf32, #tpu.memory_space<vmem>>, vector<1x16xf32>,
        %get3A_168 = vector.shape_cast %get3A_167 : vector<1x16xf32> to vector<16xf32>
        %max3A_169 = arith.maximumf %max3A_162, %get3A_168 : vector<16xf32>
        %add3A_170 = arith.constant 5 : i32
        %add3A_171 = arith.addi %mul3A_26, %add3A_170 : i32
        %get3A_172 = arith.index_cast %add3A_171 : i32 to index
        %get3A_173 = arith.constant 16 : index
        %get3A_174 = tpu.vector_load %arg6[%get3A_172, %get3A_173] {strides = array<i32>} : memref<512x128xf32, #tpu.memory_space<vmem>>, vector<1x16xf32>,
        %get3A_175 = vector.shape_cast %get3A_174 : vector<1x16xf32> to vector<16xf32>
        %max3A_176 = arith.maximumf %max3A_169, %get3A_175 : vector<16xf32>
        %add3A_177 = arith.constant 6 : i32
        %add3A_178 = arith.addi %mul3A_26, %add3A_177 : i32
        %get3A_179 = arith.index_cast %add3A_178 : i32 to index
        %get3A_180 = arith.constant 16 : index
        %get3A_181 = tpu.vector_load %arg6[%get3A_179, %get3A_180] {strides = array<i32>} : memref<512x128xf32, #tpu.memory_space<vmem>>, vector<1x16xf32>,
        %get3A_182 = vector.shape_cast %get3A_181 : vector<1x16xf32> to vector<16xf32>
        %max3A_183 = arith.maximumf %max3A_176, %get3A_182 : vector<16xf32>
        %add3A_184 = arith.constant 7 : i32
        %add3A_185 = arith.addi %mul3A_26, %add3A_184 : i32
        %get3A_186 = arith.index_cast %add3A_185 : i32 to index
        %get3A_187 = arith.constant 16 : index
        %get3A_188 = tpu.vector_load %arg6[%get3A_186, %get3A_187] {strides = array<i32>} : memref<512x128xf32, #tpu.memory_space<vmem>>, vector<1x16xf32>,
        %get3A_189 = vector.shape_cast %get3A_188 : vector<1x16xf32> to vector<16xf32>
        %max3A_190 = arith.maximumf %max3A_183, %get3A_189 : vector<16xf32>
        %add3A_191 = arith.constant 8 : i32
        %add3A_192 = arith.addi %mul3A_26, %add3A_191 : i32
        %get3A_193 = arith.index_cast %add3A_192 : i32 to index
        %get3A_194 = arith.constant 16 : index
        %get3A_195 = tpu.vector_load %arg6[%get3A_193, %get3A_194] {strides = array<i32>} : memref<512x128xf32, #tpu.memory_space<vmem>>, vector<1x16xf32>,
        %get3A_196 = vector.shape_cast %get3A_195 : vector<1x16xf32> to vector<16xf32>
        %max3A_197 = arith.maximumf %max3A_190, %get3A_196 : vector<16xf32>
        %add3A_198 = arith.constant 9 : i32
        %add3A_199 = arith.addi %mul3A_26, %add3A_198 : i32
        %get3A_200 = arith.index_cast %add3A_199 : i32 to index
        %get3A_201 = arith.constant 16 : index
        %get3A_202 = tpu.vector_load %arg6[%get3A_200, %get3A_201] {strides = array<i32>} : memref<512x128xf32, #tpu.memory_space<vmem>>, vector<1x16xf32>,
        %get3A_203 = vector.shape_cast %get3A_202 : vector<1x16xf32> to vector<16xf32>
        %max3A_204 = arith.maximumf %max3A_197, %get3A_203 : vector<16xf32>
        %add3A_205 = arith.constant 10 : i32
        %add3A_206 = arith.addi %mul3A_26, %add3A_205 : i32
        %get3A_207 = arith.index_cast %add3A_206 : i32 to index
        %get3A_208 = arith.constant 16 : index
        %get3A_209 = tpu.vector_load %arg6[%get3A_207, %get3A_208] {strides = array<i32>} : memref<512x128xf32, #tpu.memory_space<vmem>>, vector<1x16xf32>,
        %get3A_210 = vector.shape_cast %get3A_209 : vector<1x16xf32> to vector<16xf32>
        %max3A_211 = arith.maximumf %max3A_204, %get3A_210 : vector<16xf32>
        %add3A_212 = arith.constant 11 : i32
        %add3A_213 = arith.addi %mul3A_26, %add3A_212 : i32
        %get3A_214 = arith.index_cast %add3A_213 : i32 to index
        %get3A_215 = arith.constant 16 : index
        %get3A_216 = tpu.vector_load %arg6[%get3A_214, %get3A_215] {strides = array<i32>} : memref<512x128xf32, #tpu.memory_space<vmem>>, vector<1x16xf32>,
        %get3A_217 = vector.shape_cast %get3A_216 : vector<1x16xf32> to vector<16xf32>
        %max3A_218 = arith.maximumf %max3A_211, %get3A_217 : vector<16xf32>
        %add3A_219 = arith.constant 12 : i32
        %add3A_220 = arith.addi %mul3A_26, %add3A_219 : i32
        %get3A_221 = arith.index_cast %add3A_220 : i32 to index
        %get3A_222 = arith.constant 16 : index
        %get3A_223 = tpu.vector_load %arg6[%get3A_221, %get3A_222] {strides = array<i32>} : memref<512x128xf32, #tpu.memory_space<vmem>>, vector<1x16xf32>,
        %get3A_224 = vector.shape_cast %get3A_223 : vector<1x16xf32> to vector<16xf32>
        %max3A_225 = arith.maximumf %max3A_218, %get3A_224 : vector<16xf32>
        %add3A_226 = arith.constant 13 : i32
        %add3A_227 = arith.addi %mul3A_26, %add3A_226 : i32
        %get3A_228 = arith.index_cast %add3A_227 : i32 to index
        %get3A_229 = arith.constant 16 : index
        %get3A_230 = tpu.vector_load %arg6[%get3A_228, %get3A_229] {strides = array<i32>} : memref<512x128xf32, #tpu.memory_space<vmem>>, vector<1x16xf32>,
        %get3A_231 = vector.shape_cast %get3A_230 : vector<1x16xf32> to vector<16xf32>
        %max3A_232 = arith.maximumf %max3A_225, %get3A_231 : vector<16xf32>
        %add3A_233 = arith.constant 14 : i32
        %add3A_234 = arith.addi %mul3A_26, %add3A_233 : i32
        %get3A_235 = arith.index_cast %add3A_234 : i32 to index
        %get3A_236 = arith.constant 16 : index
        %get3A_237 = tpu.vector_load %arg6[%get3A_235, %get3A_236] {strides = array<i32>} : memref<512x128xf32, #tpu.memory_space<vmem>>, vector<1x16xf32>,
        %get3A_238 = vector.shape_cast %get3A_237 : vector<1x16xf32> to vector<16xf32>
        %max3A_239 = arith.maximumf %max3A_232, %get3A_238 : vector<16xf32>
        %add3A_240 = arith.constant 15 : i32
        %add3A_241 = arith.addi %mul3A_26, %add3A_240 : i32
        %get3A_242 = arith.index_cast %add3A_241 : i32 to index
        %get3A_243 = arith.constant 16 : index
        %get3A_244 = tpu.vector_load %arg6[%get3A_242, %get3A_243] {strides = array<i32>} : memref<512x128xf32, #tpu.memory_space<vmem>>, vector<1x16xf32>,
        %get3A_245 = vector.shape_cast %get3A_244 : vector<1x16xf32> to vector<16xf32>
        %max3A_246 = arith.maximumf %max3A_239, %get3A_245 : vector<16xf32>
        %swap3A_247 = arith.index_cast %scan3A_24 : i32 to index
        %swap3A_248 = arith.constant 16 : index
        %swap3A_249 = tpu.vector_load %arg7[%swap3A_247, %swap3A_248] {strides = array<i32>} : memref<32x64xf32, #tpu.memory_space<vmem>>, vector<1x16xf32>,
        %swap3A_250 = vector.shape_cast %swap3A_249 : vector<1x16xf32> to vector<16xf32>
        %swap3A_251 = vector.shape_cast %max3A_246 : vector<16xf32> to vector<1x16xf32>
        tpu.vector_store %arg7[%swap3A_247, %swap3A_248], %swap3A_251 {strides = array<i32>} : memref<32x64xf32, #tpu.memory_space<vmem>>, vector<1x16xf32>,
        %get3A_252 = arith.index_cast %mul3A_26 : i32 to index
        %get3A_253 = arith.constant 32 : index
        %get3A_254 = tpu.vector_load %arg6[%get3A_252, %get3A_253] {strides = array<i32>} : memref<512x128xf32, #tpu.memory_space<vmem>>, vector<1x16xf32>,
        %get3A_255 = vector.shape_cast %get3A_254 : vector<1x16xf32> to vector<16xf32>
        %add3A_256 = arith.constant 1 : i32
        %add3A_257 = arith.addi %mul3A_26, %add3A_256 : i32
        %get3A_258 = arith.index_cast %add3A_257 : i32 to index
        %get3A_259 = arith.constant 32 : index
        %get3A_260 = tpu.vector_load %arg6[%get3A_258, %get3A_259] {strides = array<i32>} : memref<512x128xf32, #tpu.memory_space<vmem>>, vector<1x16xf32>,
        %get3A_261 = vector.shape_cast %get3A_260 : vector<1x16xf32> to vector<16xf32>
        %max3A_262 = arith.maximumf %get3A_255, %get3A_261 : vector<16xf32>
        %add3A_263 = arith.constant 2 : i32
        %add3A_264 = arith.addi %mul3A_26, %add3A_263 : i32
        %get3A_265 = arith.index_cast %add3A_264 : i32 to index
        %get3A_266 = arith.constant 32 : index
        %get3A_267 = tpu.vector_load %arg6[%get3A_265, %get3A_266] {strides = array<i32>} : memref<512x128xf32, #tpu.memory_space<vmem>>, vector<1x16xf32>,
        %get3A_268 = vector.shape_cast %get3A_267 : vector<1x16xf32> to vector<16xf32>
        %max3A_269 = arith.maximumf %max3A_262, %get3A_268 : vector<16xf32>
        %add3A_270 = arith.constant 3 : i32
        %add3A_271 = arith.addi %mul3A_26, %add3A_270 : i32
        %get3A_272 = arith.index_cast %add3A_271 : i32 to index
        %get3A_273 = arith.constant 32 : index
        %get3A_274 = tpu.vector_load %arg6[%get3A_272, %get3A_273] {strides = array<i32>} : memref<512x128xf32, #tpu.memory_space<vmem>>, vector<1x16xf32>,
        %get3A_275 = vector.shape_cast %get3A_274 : vector<1x16xf32> to vector<16xf32>
        %max3A_276 = arith.maximumf %max3A_269, %get3A_275 : vector<16xf32>
        %add3A_277 = arith.constant 4 : i32
        %add3A_278 = arith.addi %mul3A_26, %add3A_277 : i32
        %get3A_279 = arith.index_cast %add3A_278 : i32 to index
        %get3A_280 = arith.constant 32 : index
        %get3A_281 = tpu.vector_load %arg6[%get3A_279, %get3A_280] {strides = array<i32>} : memref<512x128xf32, #tpu.memory_space<vmem>>, vector<1x16xf32>,
        %get3A_282 = vector.shape_cast %get3A_281 : vector<1x16xf32> to vector<16xf32>
        %max3A_283 = arith.maximumf %max3A_276, %get3A_282 : vector<16xf32>
        %add3A_284 = arith.constant 5 : i32
        %add3A_285 = arith.addi %mul3A_26, %add3A_284 : i32
        %get3A_286 = arith.index_cast %add3A_285 : i32 to index
        %get3A_287 = arith.constant 32 : index
        %get3A_288 = tpu.vector_load %arg6[%get3A_286, %get3A_287] {strides = array<i32>} : memref<512x128xf32, #tpu.memory_space<vmem>>, vector<1x16xf32>,
        %get3A_289 = vector.shape_cast %get3A_288 : vector<1x16xf32> to vector<16xf32>
        %max3A_290 = arith.maximumf %max3A_283, %get3A_289 : vector<16xf32>
        %add3A_291 = arith.constant 6 : i32
        %add3A_292 = arith.addi %mul3A_26, %add3A_291 : i32
        %get3A_293 = arith.index_cast %add3A_292 : i32 to index
        %get3A_294 = arith.constant 32 : index
        %get3A_295 = tpu.vector_load %arg6[%get3A_293, %get3A_294] {strides = array<i32>} : memref<512x128xf32, #tpu.memory_space<vmem>>, vector<1x16xf32>,
        %get3A_296 = vector.shape_cast %get3A_295 : vector<1x16xf32> to vector<16xf32>
        %max3A_297 = arith.maximumf %max3A_290, %get3A_296 : vector<16xf32>
        %add3A_298 = arith.constant 7 : i32
        %add3A_299 = arith.addi %mul3A_26, %add3A_298 : i32
        %get3A_300 = arith.index_cast %add3A_299 : i32 to index
        %get3A_301 = arith.constant 32 : index
        %get3A_302 = tpu.vector_load %arg6[%get3A_300, %get3A_301] {strides = array<i32>} : memref<512x128xf32, #tpu.memory_space<vmem>>, vector<1x16xf32>,
        %get3A_303 = vector.shape_cast %get3A_302 : vector<1x16xf32> to vector<16xf32>
        %max3A_304 = arith.maximumf %max3A_297, %get3A_303 : vector<16xf32>
        %add3A_305 = arith.constant 8 : i32
        %add3A_306 = arith.addi %mul3A_26, %add3A_305 : i32
        %get3A_307 = arith.index_cast %add3A_306 : i32 to index
        %get3A_308 = arith.constant 32 : index
        %get3A_309 = tpu.vector_load %arg6[%get3A_307, %get3A_308] {strides = array<i32>} : memref<512x128xf32, #tpu.memory_space<vmem>>, vector<1x16xf32>,
        %get3A_310 = vector.shape_cast %get3A_309 : vector<1x16xf32> to vector<16xf32>
        %max3A_311 = arith.maximumf %max3A_304, %get3A_310 : vector<16xf32>
        %add3A_312 = arith.constant 9 : i32
        %add3A_313 = arith.addi %mul3A_26, %add3A_312 : i32
        %get3A_314 = arith.index_cast %add3A_313 : i32 to index
        %get3A_315 = arith.constant 32 : index
        %get3A_316 = tpu.vector_load %arg6[%get3A_314, %get3A_315] {strides = array<i32>} : memref<512x128xf32, #tpu.memory_space<vmem>>, vector<1x16xf32>,
        %get3A_317 = vector.shape_cast %get3A_316 : vector<1x16xf32> to vector<16xf32>
        %max3A_318 = arith.maximumf %max3A_311, %get3A_317 : vector<16xf32>
        %add3A_319 = arith.constant 10 : i32
        %add3A_320 = arith.addi %mul3A_26, %add3A_319 : i32
        %get3A_321 = arith.index_cast %add3A_320 : i32 to index
        %get3A_322 = arith.constant 32 : index
        %get3A_323 = tpu.vector_load %arg6[%get3A_321, %get3A_322] {strides = array<i32>} : memref<512x128xf32, #tpu.memory_space<vmem>>, vector<1x16xf32>,
        %get3A_324 = vector.shape_cast %get3A_323 : vector<1x16xf32> to vector<16xf32>
        %max3A_325 = arith.maximumf %max3A_318, %get3A_324 : vector<16xf32>
        %add3A_326 = arith.constant 11 : i32
        %add3A_327 = arith.addi %mul3A_26, %add3A_326 : i32
        %get3A_328 = arith.index_cast %add3A_327 : i32 to index
        %get3A_329 = arith.constant 32 : index
        %get3A_330 = tpu.vector_load %arg6[%get3A_328, %get3A_329] {strides = array<i32>} : memref<512x128xf32, #tpu.memory_space<vmem>>, vector<1x16xf32>,
        %get3A_331 = vector.shape_cast %get3A_330 : vector<1x16xf32> to vector<16xf32>
        %max3A_332 = arith.maximumf %max3A_325, %get3A_331 : vector<16xf32>
        %add3A_333 = arith.constant 12 : i32
        %add3A_334 = arith.addi %mul3A_26, %add3A_333 : i32
        %get3A_335 = arith.index_cast %add3A_334 : i32 to index
        %get3A_336 = arith.constant 32 : index
        %get3A_337 = tpu.vector_load %arg6[%get3A_335, %get3A_336] {strides = array<i32>} : memref<512x128xf32, #tpu.memory_space<vmem>>, vector<1x16xf32>,
        %get3A_338 = vector.shape_cast %get3A_337 : vector<1x16xf32> to vector<16xf32>
        %max3A_339 = arith.maximumf %max3A_332, %get3A_338 : vector<16xf32>
        %add3A_340 = arith.constant 13 : i32
        %add3A_341 = arith.addi %mul3A_26, %add3A_340 : i32
        %get3A_342 = arith.index_cast %add3A_341 : i32 to index
        %get3A_343 = arith.constant 32 : index
        %get3A_344 = tpu.vector_load %arg6[%get3A_342, %get3A_343] {strides = array<i32>} : memref<512x128xf32, #tpu.memory_space<vmem>>, vector<1x16xf32>,
        %get3A_345 = vector.shape_cast %get3A_344 : vector<1x16xf32> to vector<16xf32>
        %max3A_346 = arith.maximumf %max3A_339, %get3A_345 : vector<16xf32>
        %add3A_347 = arith.constant 14 : i32
        %add3A_348 = arith.addi %mul3A_26, %add3A_347 : i32
        %get3A_349 = arith.index_cast %add3A_348 : i32 to index
        %get3A_350 = arith.constant 32 : index
        %get3A_351 = tpu.vector_load %arg6[%get3A_349, %get3A_350] {strides = array<i32>} : memref<512x128xf32, #tpu.memory_space<vmem>>, vector<1x16xf32>,
        %get3A_352 = vector.shape_cast %get3A_351 : vector<1x16xf32> to vector<16xf32>
        %max3A_353 = arith.maximumf %max3A_346, %get3A_352 : vector<16xf32>
        %add3A_354 = arith.constant 15 : i32
        %add3A_355 = arith.addi %mul3A_26, %add3A_354 : i32
        %get3A_356 = arith.index_cast %add3A_355 : i32 to index
        %get3A_357 = arith.constant 32 : index
        %get3A_358 = tpu.vector_load %arg6[%get3A_356, %get3A_357] {strides = array<i32>} : memref<512x128xf32, #tpu.memory_space<vmem>>, vector<1x16xf32>,
        %get3A_359 = vector.shape_cast %get3A_358 : vector<1x16xf32> to vector<16xf32>
        %max3A_360 = arith.maximumf %max3A_353, %get3A_359 : vector<16xf32>
        %swap3A_361 = arith.index_cast %scan3A_24 : i32 to index
        %swap3A_362 = arith.constant 32 : index
        %swap3A_363 = tpu.vector_load %arg7[%swap3A_361, %swap3A_362] {strides = array<i32>} : memref<32x64xf32, #tpu.memory_space<vmem>>, vector<1x16xf32>,
        %swap3A_364 = vector.shape_cast %swap3A_363 : vector<1x16xf32> to vector<16xf32>
        %swap3A_365 = vector.shape_cast %max3A_360 : vector<16xf32> to vector<1x16xf32>
        tpu.vector_store %arg7[%swap3A_361, %swap3A_362], %swap3A_365 {strides = array<i32>} : memref<32x64xf32, #tpu.memory_space<vmem>>, vector<1x16xf32>,
        %get3A_366 = arith.index_cast %mul3A_26 : i32 to index
        %get3A_367 = arith.constant 48 : index
        %get3A_368 = tpu.vector_load %arg6[%get3A_366, %get3A_367] {strides = array<i32>} : memref<512x128xf32, #tpu.memory_space<vmem>>, vector<1x16xf32>,
        %get3A_369 = vector.shape_cast %get3A_368 : vector<1x16xf32> to vector<16xf32>
        %add3A_370 = arith.constant 1 : i32
        %add3A_371 = arith.addi %mul3A_26, %add3A_370 : i32
        %get3A_372 = arith.index_cast %add3A_371 : i32 to index
        %get3A_373 = arith.constant 48 : index
        %get3A_374 = tpu.vector_load %arg6[%get3A_372, %get3A_373] {strides = array<i32>} : memref<512x128xf32, #tpu.memory_space<vmem>>, vector<1x16xf32>,
        %get3A_375 = vector.shape_cast %get3A_374 : vector<1x16xf32> to vector<16xf32>
        %max3A_376 = arith.maximumf %get3A_369, %get3A_375 : vector<16xf32>
        %add3A_377 = arith.constant 2 : i32
        %add3A_378 = arith.addi %mul3A_26, %add3A_377 : i32
        %get3A_379 = arith.index_cast %add3A_378 : i32 to index
        %get3A_380 = arith.constant 48 : index
        %get3A_381 = tpu.vector_load %arg6[%get3A_379, %get3A_380] {strides = array<i32>} : memref<512x128xf32, #tpu.memory_space<vmem>>, vector<1x16xf32>,
        %get3A_382 = vector.shape_cast %get3A_381 : vector<1x16xf32> to vector<16xf32>
        %max3A_383 = arith.maximumf %max3A_376, %get3A_382 : vector<16xf32>
        %add3A_384 = arith.constant 3 : i32
        %add3A_385 = arith.addi %mul3A_26, %add3A_384 : i32
        %get3A_386 = arith.index_cast %add3A_385 : i32 to index
        %get3A_387 = arith.constant 48 : index
        %get3A_388 = tpu.vector_load %arg6[%get3A_386, %get3A_387] {strides = array<i32>} : memref<512x128xf32, #tpu.memory_space<vmem>>, vector<1x16xf32>,
        %get3A_389 = vector.shape_cast %get3A_388 : vector<1x16xf32> to vector<16xf32>
        %max3A_390 = arith.maximumf %max3A_383, %get3A_389 : vector<16xf32>
        %add3A_391 = arith.constant 4 : i32
        %add3A_392 = arith.addi %mul3A_26, %add3A_391 : i32
        %get3A_393 = arith.index_cast %add3A_392 : i32 to index
        %get3A_394 = arith.constant 48 : index
        %get3A_395 = tpu.vector_load %arg6[%get3A_393, %get3A_394] {strides = array<i32>} : memref<512x128xf32, #tpu.memory_space<vmem>>, vector<1x16xf32>,
        %get3A_396 = vector.shape_cast %get3A_395 : vector<1x16xf32> to vector<16xf32>
        %max3A_397 = arith.maximumf %max3A_390, %get3A_396 : vector<16xf32>
        %add3A_398 = arith.constant 5 : i32
        %add3A_399 = arith.addi %mul3A_26, %add3A_398 : i32
        %get3A_400 = arith.index_cast %add3A_399 : i32 to index
        %get3A_401 = arith.constant 48 : index
        %get3A_402 = tpu.vector_load %arg6[%get3A_400, %get3A_401] {strides = array<i32>} : memref<512x128xf32, #tpu.memory_space<vmem>>, vector<1x16xf32>,
        %get3A_403 = vector.shape_cast %get3A_402 : vector<1x16xf32> to vector<16xf32>
        %max3A_404 = arith.maximumf %max3A_397, %get3A_403 : vector<16xf32>
        %add3A_405 = arith.constant 6 : i32
        %add3A_406 = arith.addi %mul3A_26, %add3A_405 : i32
        %get3A_407 = arith.index_cast %add3A_406 : i32 to index
        %get3A_408 = arith.constant 48 : index
        %get3A_409 = tpu.vector_load %arg6[%get3A_407, %get3A_408] {strides = array<i32>} : memref<512x128xf32, #tpu.memory_space<vmem>>, vector<1x16xf32>,
        %get3A_410 = vector.shape_cast %get3A_409 : vector<1x16xf32> to vector<16xf32>
        %max3A_411 = arith.maximumf %max3A_404, %get3A_410 : vector<16xf32>
        %add3A_412 = arith.constant 7 : i32
        %add3A_413 = arith.addi %mul3A_26, %add3A_412 : i32
        %get3A_414 = arith.index_cast %add3A_413 : i32 to index
        %get3A_415 = arith.constant 48 : index
        %get3A_416 = tpu.vector_load %arg6[%get3A_414, %get3A_415] {strides = array<i32>} : memref<512x128xf32, #tpu.memory_space<vmem>>, vector<1x16xf32>,
        %get3A_417 = vector.shape_cast %get3A_416 : vector<1x16xf32> to vector<16xf32>
        %max3A_418 = arith.maximumf %max3A_411, %get3A_417 : vector<16xf32>
        %add3A_419 = arith.constant 8 : i32
        %add3A_420 = arith.addi %mul3A_26, %add3A_419 : i32
        %get3A_421 = arith.index_cast %add3A_420 : i32 to index
        %get3A_422 = arith.constant 48 : index
        %get3A_423 = tpu.vector_load %arg6[%get3A_421, %get3A_422] {strides = array<i32>} : memref<512x128xf32, #tpu.memory_space<vmem>>, vector<1x16xf32>,
        %get3A_424 = vector.shape_cast %get3A_423 : vector<1x16xf32> to vector<16xf32>
        %max3A_425 = arith.maximumf %max3A_418, %get3A_424 : vector<16xf32>
        %add3A_426 = arith.constant 9 : i32
        %add3A_427 = arith.addi %mul3A_26, %add3A_426 : i32
        %get3A_428 = arith.index_cast %add3A_427 : i32 to index
        %get3A_429 = arith.constant 48 : index
        %get3A_430 = tpu.vector_load %arg6[%get3A_428, %get3A_429] {strides = array<i32>} : memref<512x128xf32, #tpu.memory_space<vmem>>, vector<1x16xf32>,
        %get3A_431 = vector.shape_cast %get3A_430 : vector<1x16xf32> to vector<16xf32>
        %max3A_432 = arith.maximumf %max3A_425, %get3A_431 : vector<16xf32>
        %add3A_433 = arith.constant 10 : i32
        %add3A_434 = arith.addi %mul3A_26, %add3A_433 : i32
        %get3A_435 = arith.index_cast %add3A_434 : i32 to index
        %get3A_436 = arith.constant 48 : index
        %get3A_437 = tpu.vector_load %arg6[%get3A_435, %get3A_436] {strides = array<i32>} : memref<512x128xf32, #tpu.memory_space<vmem>>, vector<1x16xf32>,
        %get3A_438 = vector.shape_cast %get3A_437 : vector<1x16xf32> to vector<16xf32>
        %max3A_439 = arith.maximumf %max3A_432, %get3A_438 : vector<16xf32>
        %add3A_440 = arith.constant 11 : i32
        %add3A_441 = arith.addi %mul3A_26, %add3A_440 : i32
        %get3A_442 = arith.index_cast %add3A_441 : i32 to index
        %get3A_443 = arith.constant 48 : index
        %get3A_444 = tpu.vector_load %arg6[%get3A_442, %get3A_443] {strides = array<i32>} : memref<512x128xf32, #tpu.memory_space<vmem>>, vector<1x16xf32>,
        %get3A_445 = vector.shape_cast %get3A_444 : vector<1x16xf32> to vector<16xf32>
        %max3A_446 = arith.maximumf %max3A_439, %get3A_445 : vector<16xf32>
        %add3A_447 = arith.constant 12 : i32
        %add3A_448 = arith.addi %mul3A_26, %add3A_447 : i32
        %get3A_449 = arith.index_cast %add3A_448 : i32 to index
        %get3A_450 = arith.constant 48 : index
        %get3A_451 = tpu.vector_load %arg6[%get3A_449, %get3A_450] {strides = array<i32>} : memref<512x128xf32, #tpu.memory_space<vmem>>, vector<1x16xf32>,
        %get3A_452 = vector.shape_cast %get3A_451 : vector<1x16xf32> to vector<16xf32>
        %max3A_453 = arith.maximumf %max3A_446, %get3A_452 : vector<16xf32>
        %add3A_454 = arith.constant 13 : i32
        %add3A_455 = arith.addi %mul3A_26, %add3A_454 : i32
        %get3A_456 = arith.index_cast %add3A_455 : i32 to index
        %get3A_457 = arith.constant 48 : index
        %get3A_458 = tpu.vector_load %arg6[%get3A_456, %get3A_457] {strides = array<i32>} : memref<512x128xf32, #tpu.memory_space<vmem>>, vector<1x16xf32>,
        %get3A_459 = vector.shape_cast %get3A_458 : vector<1x16xf32> to vector<16xf32>
        %max3A_460 = arith.maximumf %max3A_453, %get3A_459 : vector<16xf32>
        %add3A_461 = arith.constant 14 : i32
        %add3A_462 = arith.addi %mul3A_26, %add3A_461 : i32
        %get3A_463 = arith.index_cast %add3A_462 : i32 to index
        %get3A_464 = arith.constant 48 : index
        %get3A_465 = tpu.vector_load %arg6[%get3A_463, %get3A_464] {strides = array<i32>} : memref<512x128xf32, #tpu.memory_space<vmem>>, vector<1x16xf32>,
        %get3A_466 = vector.shape_cast %get3A_465 : vector<1x16xf32> to vector<16xf32>
        %max3A_467 = arith.maximumf %max3A_460, %get3A_466 : vector<16xf32>
        %add3A_468 = arith.constant 15 : i32
        %add3A_469 = arith.addi %mul3A_26, %add3A_468 : i32
        %get3A_470 = arith.index_cast %add3A_469 : i32 to index
        %get3A_471 = arith.constant 48 : index
        %get3A_472 = tpu.vector_load %arg6[%get3A_470, %get3A_471] {strides = array<i32>} : memref<512x128xf32, #tpu.memory_space<vmem>>, vector<1x16xf32>,
        %get3A_473 = vector.shape_cast %get3A_472 : vector<1x16xf32> to vector<16xf32>
        %max3A_474 = arith.maximumf %max3A_467, %get3A_473 : vector<16xf32>
        %swap3A_475 = arith.index_cast %scan3A_24 : i32 to index
        %swap3A_476 = arith.constant 48 : index
        %swap3A_477 = tpu.vector_load %arg7[%swap3A_475, %swap3A_476] {strides = array<i32>} : memref<32x64xf32, #tpu.memory_space<vmem>>, vector<1x16xf32>,
        %swap3A_478 = vector.shape_cast %swap3A_477 : vector<1x16xf32> to vector<16xf32>
        %swap3A_479 = vector.shape_cast %max3A_474 : vector<16xf32> to vector<1x16xf32>
        tpu.vector_store %arg7[%swap3A_475, %swap3A_476], %swap3A_479 {strides = array<i32>} : memref<32x64xf32, #tpu.memory_space<vmem>>, vector<1x16xf32>,
      }
      %scan3A_23 = arith.constant 32 : i32
      "tpu.region"() ({
        %run_scoped3A = tpu.sem_alloc : memref<!tpu.dma_semaphore, #tpu.memory_space<semaphore_mem>>
        %dma_start3A_24 = arith.constant 0 : i32
        %dma_start3A_25 = tpu.memref_slice %arg4[%add3A_11, %dma_start3A_24] : memref<4096x64xf32, #tpu.memory_space<hbm>> -> memref<32x64xf32, #tpu.memory_space<hbm>>
        %dma_start3A_26 = arith.constant 0 : i32
        %dma_start3A_27 = tpu.memref_slice %arg4[%add3A_11, %dma_start3A_26] : memref<4096x64xf32, #tpu.memory_space<hbm>> -> memref<32x64xf32, #tpu.memory_space<hbm>>
        tpu.enqueue_dma source(%arg7 : memref<32x64xf32, #tpu.memory_space<vmem>>) target(%dma_start3A_27 : memref<32x64xf32, #tpu.memory_space<hbm>>) target_semaphore(%run_scoped3A : memref<!tpu.dma_semaphore, #tpu.memory_space<semaphore_mem>>)
        %dma_wait3A_28 = arith.constant 0 : i32
        %dma_wait3A_29 = tpu.memref_slice %arg4[%add3A_11, %dma_wait3A_28] : memref<4096x64xf32, #tpu.memory_space<hbm>> -> memref<32x64xf32, #tpu.memory_space<hbm>>
        %dma_wait3A_30 = arith.constant 0 : i32
        %dma_wait3A_31 = tpu.memref_slice %arg4[%add3A_11, %dma_wait3A_30] : memref<4096x64xf32, #tpu.memory_space<hbm>> -> memref<32x64xf32, #tpu.memory_space<hbm>>
        tpu.wait_dma2 semaphore(%run_scoped3A : memref<!tpu.dma_semaphore, #tpu.memory_space<semaphore_mem>>) src(%arg7 : memref<32x64xf32, #tpu.memory_space<vmem>>) dst(%dma_wait3A_31 : memref<32x64xf32, #tpu.memory_space<hbm>>)
        tpu.yield
      }) : () -> ()
    }
    %scan3A_7 = arith.constant 4 : i32
    return
  }
}

module attributes {stable_mosaic.version = 14 : i64} {
  func.func @_fps_kernel(%arg0: memref<3x16384xf32, #tpu.memory_space<smem>>, %arg1: memref<16384x8xf32, #tpu.memory_space<vmem>>, %arg2: memref<8x2048xf32, #tpu.memory_space<vmem>>, %arg3: memref<8x2048xf32, #tpu.memory_space<vmem>>, %arg4: memref<8x2048xf32, #tpu.memory_space<vmem>>, %arg5: memref<4096x8xf32, #tpu.memory_space<vmem>>) attributes {dimension_semantics = [], scalar_prefetch = 0 : i64, scratch_operands = 0 : i64, tpu.core_type = #tpu.core_type<tc>} {
    %get3A = arith.constant 0 : index
    %get3A_0 = arith.constant 0 : index
    %get3A_1 = vector.load %arg2[%get3A, %get3A_0] : memref<8x2048xf32, #tpu.memory_space<vmem>>, vector<8x2048xf32>
    %get3A_2 = arith.constant 0 : index
    %get3A_3 = arith.constant 0 : index
    %get3A_4 = vector.load %arg3[%get3A_2, %get3A_3] : memref<8x2048xf32, #tpu.memory_space<vmem>>, vector<8x2048xf32>
    %get3A_5 = arith.constant 0 : index
    %get3A_6 = arith.constant 0 : index
    %get3A_7 = vector.load %arg4[%get3A_5, %get3A_6] : memref<8x2048xf32, #tpu.memory_space<vmem>>, vector<8x2048xf32>
    %iota3A = tpu.iota {dimensions = array<i32: 0>} : vector<8x2048xi32>
    %mul3A = arith.constant 2048 : i32
    %mul3A_8 = vector.broadcast %mul3A : i32 to vector<8x2048xi32>
    %mul3A_9 = arith.muli %iota3A, %mul3A_8 : vector<8x2048xi32>
    %iota3A_10 = tpu.iota {dimensions = array<i32: 1>} : vector<8x2048xi32>
    %add3A = arith.addi %mul3A_9, %iota3A_10 : vector<8x2048xi32>
    %convert_element_type3A = arith.sitofp %add3A : vector<8x2048xi32> to vector<8x2048xf32>
    %broadcast_in_dim3A = arith.constant 0x7F800000 : f32
    %broadcast_in_dim3A_11 = vector.broadcast %broadcast_in_dim3A : f32 to vector<8x2048xf32>
    %scan3A = arith.constant 0 : i32
    %scan3A_12 = arith.constant 1 : i32
    %scan3A_13 = arith.constant 4095 : i32
    %scan3A_14 = arith.addi %scan3A_12, %scan3A_13 : i32
    %scan3A_15 = arith.constant 1 : i32
    %scan3A_16:2 = scf.for %scan3A_23 = %scan3A_12 to %scan3A_14 step %scan3A_15 iter_args(%scan3A_24 = %broadcast_in_dim3A_11, %scan3A_25 = %scan3A) -> (vector<8x2048xf32>, i32)  : i32 {
      %get3A_26 = arith.constant 0 : index
      %get3A_27 = arith.index_cast %scan3A_25 : i32 to index
      %get3A_28 = memref.load %arg0[%get3A_26, %get3A_27] : memref<3x16384xf32, #tpu.memory_space<smem>>
      %get3A_29 = arith.constant 1 : index
      %get3A_30 = arith.index_cast %scan3A_25 : i32 to index
      %get3A_31 = memref.load %arg0[%get3A_29, %get3A_30] : memref<3x16384xf32, #tpu.memory_space<smem>>
      %get3A_32 = arith.constant 2 : index
      %get3A_33 = arith.index_cast %scan3A_25 : i32 to index
      %get3A_34 = memref.load %arg0[%get3A_32, %get3A_33] : memref<3x16384xf32, #tpu.memory_space<smem>>
      %get3A_35 = arith.index_cast %scan3A_25 : i32 to index
      %get3A_36 = arith.constant 0 : index
      %get3A_37 = vector.load %arg1[%get3A_35, %get3A_36] : memref<16384x8xf32, #tpu.memory_space<vmem>>, vector<1x8xf32>
      %sub3A = arith.constant 1 : i32
      %sub3A_38 = arith.subi %scan3A_23, %sub3A : i32
      %swap3A_39 = arith.index_cast %sub3A_38 : i32 to index
      %swap3A_40 = arith.constant 0 : index
      %swap3A_41 = vector.load %arg5[%swap3A_39, %swap3A_40] : memref<4096x8xf32, #tpu.memory_space<vmem>>, vector<1x8xf32>
      tpu.vector_store %arg5[%swap3A_39, %swap3A_40], %get3A_37 {strides = array<i32>} : memref<4096x8xf32, #tpu.memory_space<vmem>>, vector<1x8xf32>,
      %sub3A_42 = vector.broadcast %get3A_28 : f32 to vector<8x2048xf32>
      %sub3A_43 = arith.subf %get3A_1, %sub3A_42 : vector<8x2048xf32>
      %sub3A_44 = vector.broadcast %get3A_31 : f32 to vector<8x2048xf32>
      %sub3A_45 = arith.subf %get3A_4, %sub3A_44 : vector<8x2048xf32>
      %sub3A_46 = vector.broadcast %get3A_34 : f32 to vector<8x2048xf32>
      %sub3A_47 = arith.subf %get3A_7, %sub3A_46 : vector<8x2048xf32>
      %mul3A_48 = arith.mulf %sub3A_43, %sub3A_43 : vector<8x2048xf32>
      %mul3A_49 = arith.mulf %sub3A_47, %sub3A_47 : vector<8x2048xf32>
      %add3A_50 = arith.addf %mul3A_48, %mul3A_49 : vector<8x2048xf32>
      %mul3A_51 = arith.mulf %sub3A_45, %sub3A_45 : vector<8x2048xf32>
      %add3A_52 = arith.addf %add3A_50, %mul3A_51 : vector<8x2048xf32>
      %min3A = arith.minimumf %scan3A_24, %add3A_52 : vector<8x2048xf32>
      %reduce_max3A = arith.constant dense<0xFF800000> : vector<8xf32>
      %reduce_max3A_53 = vector.multi_reduction <maximumf>, %min3A, %reduce_max3A [1] : vector<8x2048xf32> to vector<8xf32>
      %broadcast_in_dim3A_54 = vector.shape_cast %reduce_max3A_53 : vector<8xf32> to vector<8x1xf32>
      %reduce_max3A_55 = vector.shape_cast %broadcast_in_dim3A_54 : vector<8x1xf32> to vector<1x8x1xf32>
      %reduce_max3A_56 = arith.constant dense<0xFF800000> : vector<1xf32>
      %reduce_max3A_57 = vector.multi_reduction <maximumf>, %reduce_max3A_55, %reduce_max3A_56 [1, 2] : vector<1x8x1xf32> to vector<1xf32>
      %reduce_max3A_58 = vector.shape_cast %reduce_max3A_57 : vector<1xf32> to vector<1x1x1xf32>
      %reduce_max3A_59 = vector.extract %reduce_max3A_58[0, 0, 0] : f32 from vector<1x1x1xf32>
      %eq3A = vector.broadcast %reduce_max3A_59 : f32 to vector<8x2048xf32>
      %eq3A_60 = arith.cmpf oeq, %min3A, %eq3A : vector<8x2048xf32>
      %jit3A = arith.constant 1.638400e+04 : f32
      %broadcast_in_dim3A_61 = vector.broadcast %jit3A : f32 to vector<8x2048xf32>
      %select_n3A = arith.select %eq3A_60, %convert_element_type3A, %broadcast_in_dim3A_61 : vector<8x2048xi1>, vector<8x2048xf32>
      %reduce_min3A = arith.constant dense<0x7F800000> : vector<8xf32>
      %reduce_min3A_62 = vector.multi_reduction <minimumf>, %select_n3A, %reduce_min3A [1] : vector<8x2048xf32> to vector<8xf32>
      %broadcast_in_dim3A_63 = vector.shape_cast %reduce_min3A_62 : vector<8xf32> to vector<8x1xf32>
      %reduce_min3A_64 = vector.shape_cast %broadcast_in_dim3A_63 : vector<8x1xf32> to vector<1x8x1xf32>
      %reduce_min3A_65 = arith.constant dense<0x7F800000> : vector<1xf32>
      %reduce_min3A_66 = vector.multi_reduction <minimumf>, %reduce_min3A_64, %reduce_min3A_65 [1, 2] : vector<1x8x1xf32> to vector<1xf32>
      %reduce_min3A_67 = vector.shape_cast %reduce_min3A_66 : vector<1xf32> to vector<1x1x1xf32>
      %reduce_min3A_68 = vector.extract %reduce_min3A_67[0, 0, 0] : f32 from vector<1x1x1xf32>
      %convert_element_type3A_69 = arith.fptosi %reduce_min3A_68 : f32 to i32
      scf.yield %min3A, %convert_element_type3A_69 : vector<8x2048xf32>, i32
    }
    %scan3A_17 = arith.constant 4095 : i32
    %get3A_18 = arith.index_cast %scan3A_16#1 : i32 to index
    %get3A_19 = arith.constant 0 : index
    %get3A_20 = vector.load %arg1[%get3A_18, %get3A_19] : memref<16384x8xf32, #tpu.memory_space<vmem>>, vector<1x8xf32>
    %swap3A = arith.constant 4095 : index
    %swap3A_21 = arith.constant 0 : index
    %swap3A_22 = vector.load %arg5[%swap3A, %swap3A_21] : memref<4096x8xf32, #tpu.memory_space<vmem>>, vector<1x8xf32>
    tpu.vector_store %arg5[%swap3A, %swap3A_21], %get3A_20 {strides = array<i32>} : memref<4096x8xf32, #tpu.memory_space<vmem>>, vector<1x8xf32>,
    return
  }
}

module attributes {stable_mosaic.version = 14 : i64} {
  func.func @_topk_kernel(%arg0: i32, %arg1: memref<64x8xf32, #tpu.memory_space<vmem>>, %arg2: memref<1x16384xf32, #tpu.memory_space<vmem>>, %arg3: memref<1x16384xf32, #tpu.memory_space<vmem>>, %arg4: memref<1x16384xf32, #tpu.memory_space<vmem>>, %arg5: memref<64x16xi32, #tpu.memory_space<vmem>>, %arg6: memref<64x16384xf32, #tpu.memory_space<vmem>>) attributes {dimension_semantics = [#tpu.dimension_semantics<arbitrary>], iteration_bounds = array<i64: 64>, scalar_prefetch = 0 : i64, scratch_operands = 1 : i64, tpu.core_type = #tpu.core_type<tc>, window_params = [{transform_indices = @transform_0, window_bounds = array<i64: 64, 8>}, {pipeline_mode = #tpu.pipeline_mode<synchronous>, transform_indices = @transform_1, window_bounds = array<i64: 1, 16384>}, {pipeline_mode = #tpu.pipeline_mode<synchronous>, transform_indices = @transform_2, window_bounds = array<i64: 1, 16384>}, {pipeline_mode = #tpu.pipeline_mode<synchronous>, transform_indices = @transform_3, window_bounds = array<i64: 1, 16384>}, {transform_indices = @transform_4, window_bounds = array<i64: 64, 16>}]} {
    %get3A = arith.constant 0 : index
    %get3A_0 = arith.constant 0 : index
    %get3A_1 = vector.load %arg1[%get3A, %get3A_0] : memref<64x8xf32, #tpu.memory_space<vmem>>, vector<64x8xf32>
    %slice3A = vector.extract_strided_slice %get3A_1 {offsets = [0, 0], sizes = [64, 1], strides = [1, 1]} : vector<64x8xf32> to vector<64x1xf32>
    %slice3A_2 = vector.extract_strided_slice %get3A_1 {offsets = [0, 1], sizes = [64, 1], strides = [1, 1]} : vector<64x8xf32> to vector<64x1xf32>
    %slice3A_3 = vector.extract_strided_slice %get3A_1 {offsets = [0, 2], sizes = [64, 1], strides = [1, 1]} : vector<64x8xf32> to vector<64x1xf32>
    %get3A_4 = arith.constant 0 : index
    %get3A_5 = arith.constant 0 : index
    %get3A_6 = vector.load %arg2[%get3A_4, %get3A_5] : memref<1x16384xf32, #tpu.memory_space<vmem>>, vector<1x16384xf32>
    %get3A_7 = arith.constant 0 : index
    %get3A_8 = arith.constant 0 : index
    %get3A_9 = vector.load %arg3[%get3A_7, %get3A_8] : memref<1x16384xf32, #tpu.memory_space<vmem>>, vector<1x16384xf32>
    %get3A_10 = arith.constant 0 : index
    %get3A_11 = arith.constant 0 : index
    %get3A_12 = vector.load %arg4[%get3A_10, %get3A_11] : memref<1x16384xf32, #tpu.memory_space<vmem>>, vector<1x16384xf32>
    %mul3A = arith.mulf %slice3A, %slice3A : vector<64x1xf32>
    %mul3A_13 = arith.mulf %slice3A_3, %slice3A_3 : vector<64x1xf32>
    %add3A = arith.addf %mul3A, %mul3A_13 : vector<64x1xf32>
    %mul3A_14 = arith.mulf %slice3A_2, %slice3A_2 : vector<64x1xf32>
    %add3A_15 = arith.addf %add3A, %mul3A_14 : vector<64x1xf32>
    %mul3A_16 = arith.mulf %get3A_6, %get3A_6 : vector<1x16384xf32>
    %mul3A_17 = arith.mulf %get3A_12, %get3A_12 : vector<1x16384xf32>
    %add3A_18 = arith.addf %mul3A_16, %mul3A_17 : vector<1x16384xf32>
    %mul3A_19 = arith.mulf %get3A_9, %get3A_9 : vector<1x16384xf32>
    %add3A_20 = arith.addf %add3A_18, %mul3A_19 : vector<1x16384xf32>
    %convert_element_type3A = arith.truncf %slice3A : vector<64x1xf32> to vector<64x1xbf16>
    %convert_element_type3A_21 = arith.extf %convert_element_type3A : vector<64x1xbf16> to vector<64x1xf32>
    %convert_element_type3A_22 = arith.truncf %slice3A_2 : vector<64x1xf32> to vector<64x1xbf16>
    %convert_element_type3A_23 = arith.extf %convert_element_type3A_22 : vector<64x1xbf16> to vector<64x1xf32>
    %convert_element_type3A_24 = arith.truncf %slice3A_3 : vector<64x1xf32> to vector<64x1xbf16>
    %convert_element_type3A_25 = arith.extf %convert_element_type3A_24 : vector<64x1xbf16> to vector<64x1xf32>
    %convert_element_type3A_26 = arith.truncf %get3A_6 : vector<1x16384xf32> to vector<1x16384xbf16>
    %convert_element_type3A_27 = arith.extf %convert_element_type3A_26 : vector<1x16384xbf16> to vector<1x16384xf32>
    %convert_element_type3A_28 = arith.truncf %get3A_9 : vector<1x16384xf32> to vector<1x16384xbf16>
    %convert_element_type3A_29 = arith.extf %convert_element_type3A_28 : vector<1x16384xbf16> to vector<1x16384xf32>
    %convert_element_type3A_30 = arith.truncf %get3A_12 : vector<1x16384xf32> to vector<1x16384xbf16>
    %convert_element_type3A_31 = arith.extf %convert_element_type3A_30 : vector<1x16384xbf16> to vector<1x16384xf32>
    %mul3A_32 = vector.broadcast %convert_element_type3A_21 : vector<64x1xf32> to vector<64x16384xf32>
    %mul3A_33 = vector.broadcast %convert_element_type3A_27 : vector<1x16384xf32> to vector<64x16384xf32>
    %mul3A_34 = arith.mulf %mul3A_32, %mul3A_33 : vector<64x16384xf32>
    %mul3A_35 = vector.broadcast %convert_element_type3A_23 : vector<64x1xf32> to vector<64x16384xf32>
    %mul3A_36 = vector.broadcast %convert_element_type3A_29 : vector<1x16384xf32> to vector<64x16384xf32>
    %mul3A_37 = arith.mulf %mul3A_35, %mul3A_36 : vector<64x16384xf32>
    %add3A_38 = arith.addf %mul3A_34, %mul3A_37 : vector<64x16384xf32>
    %mul3A_39 = vector.broadcast %convert_element_type3A_25 : vector<64x1xf32> to vector<64x16384xf32>
    %mul3A_40 = vector.broadcast %convert_element_type3A_31 : vector<1x16384xf32> to vector<64x16384xf32>
    %mul3A_41 = arith.mulf %mul3A_39, %mul3A_40 : vector<64x16384xf32>
    %add3A_42 = arith.addf %add3A_38, %mul3A_41 : vector<64x16384xf32>
    %mul3A_43 = arith.constant 2.000000e+00 : f32
    %mul3A_44 = vector.broadcast %mul3A_43 : f32 to vector<64x16384xf32>
    %mul3A_45 = arith.mulf %mul3A_44, %add3A_42 : vector<64x16384xf32>
    %sub3A = vector.broadcast %add3A_15 : vector<64x1xf32> to vector<64x16384xf32>
    %sub3A_46 = arith.subf %sub3A, %mul3A_45 : vector<64x16384xf32>
    %add3A_47 = vector.broadcast %add3A_20 : vector<1x16384xf32> to vector<64x16384xf32>
    %add3A_48 = arith.addf %sub3A_46, %add3A_47 : vector<64x16384xf32>
    %swap3A = arith.constant 0 : index
    %swap3A_49 = arith.constant 0 : index
    %swap3A_50 = vector.load %arg6[%swap3A, %swap3A_49] : memref<64x16384xf32, #tpu.memory_space<vmem>>, vector<64x16384xf32>
    tpu.vector_store %arg6[%swap3A, %swap3A_49], %add3A_48 {strides = array<i32>} : memref<64x16384xf32, #tpu.memory_space<vmem>>, vector<64x16384xf32>,
    %iota3A = tpu.iota {dimensions = array<i32: 1>} : vector<64x16384xi32>
    %convert_element_type3A_51 = arith.sitofp %iota3A : vector<64x16384xi32> to vector<64x16384xf32>
    %get3A_52 = arith.constant 0 : index
    %get3A_53 = arith.constant 0 : index
    %get3A_54 = vector.load %arg6[%get3A_52, %get3A_53] : memref<64x16384xf32, #tpu.memory_space<vmem>>, vector<64x16384xf32>
    %reduce_min3A = arith.constant dense<0x7F800000> : vector<64xf32>
    %reduce_min3A_55 = vector.multi_reduction <minimumf>, %get3A_54, %reduce_min3A [1] : vector<64x16384xf32> to vector<64xf32>
    %broadcast_in_dim3A = vector.shape_cast %reduce_min3A_55 : vector<64xf32> to vector<64x1xf32>
    %eq3A = vector.broadcast %broadcast_in_dim3A : vector<64x1xf32> to vector<64x16384xf32>
    %eq3A_56 = arith.cmpf oeq, %get3A_54, %eq3A : vector<64x16384xf32>
    %jit3A = arith.constant 1.638400e+04 : f32
    %broadcast_in_dim3A_57 = vector.broadcast %jit3A : f32 to vector<64x16384xf32>
    %select_n3A = arith.select %eq3A_56, %convert_element_type3A_51, %broadcast_in_dim3A_57 : vector<64x16384xi1>, vector<64x16384xf32>
    %reduce_min3A_58 = arith.constant dense<0x7F800000> : vector<64xf32>
    %reduce_min3A_59 = vector.multi_reduction <minimumf>, %select_n3A, %reduce_min3A_58 [1] : vector<64x16384xf32> to vector<64xf32>
    %broadcast_in_dim3A_60 = vector.shape_cast %reduce_min3A_59 : vector<64xf32> to vector<64x1xf32>
    %eq3A_61 = vector.broadcast %broadcast_in_dim3A_60 : vector<64x1xf32> to vector<64x16384xf32>
    %eq3A_62 = arith.cmpf oeq, %convert_element_type3A_51, %eq3A_61 : vector<64x16384xf32>
    %jit3A_63 = arith.constant 0x7F800000 : f32
    %broadcast_in_dim3A_64 = vector.broadcast %jit3A_63 : f32 to vector<64x16384xf32>
    %select_n3A_65 = arith.select %eq3A_62, %broadcast_in_dim3A_64, %get3A_54 : vector<64x16384xi1>, vector<64x16384xf32>
    %swap3A_66 = arith.constant 0 : index
    %swap3A_67 = arith.constant 0 : index
    %swap3A_68 = vector.load %arg6[%swap3A_66, %swap3A_67] : memref<64x16384xf32, #tpu.memory_space<vmem>>, vector<64x16384xf32>
    tpu.vector_store %arg6[%swap3A_66, %swap3A_67], %select_n3A_65 {strides = array<i32>} : memref<64x16384xf32, #tpu.memory_space<vmem>>, vector<64x16384xf32>,
    %get3A_69 = arith.constant 0 : index
    %get3A_70 = arith.constant 0 : index
    %get3A_71 = vector.load %arg6[%get3A_69, %get3A_70] : memref<64x16384xf32, #tpu.memory_space<vmem>>, vector<64x16384xf32>
    %reduce_min3A_72 = arith.constant dense<0x7F800000> : vector<64xf32>
    %reduce_min3A_73 = vector.multi_reduction <minimumf>, %get3A_71, %reduce_min3A_72 [1] : vector<64x16384xf32> to vector<64xf32>
    %broadcast_in_dim3A_74 = vector.shape_cast %reduce_min3A_73 : vector<64xf32> to vector<64x1xf32>
    %eq3A_75 = vector.broadcast %broadcast_in_dim3A_74 : vector<64x1xf32> to vector<64x16384xf32>
    %eq3A_76 = arith.cmpf oeq, %get3A_71, %eq3A_75 : vector<64x16384xf32>
    %jit3A_77 = arith.constant 1.638400e+04 : f32
    %broadcast_in_dim3A_78 = vector.broadcast %jit3A_77 : f32 to vector<64x16384xf32>
    %select_n3A_79 = arith.select %eq3A_76, %convert_element_type3A_51, %broadcast_in_dim3A_78 : vector<64x16384xi1>, vector<64x16384xf32>
    %reduce_min3A_80 = arith.constant dense<0x7F800000> : vector<64xf32>
    %reduce_min3A_81 = vector.multi_reduction <minimumf>, %select_n3A_79, %reduce_min3A_80 [1] : vector<64x16384xf32> to vector<64xf32>
    %broadcast_in_dim3A_82 = vector.shape_cast %reduce_min3A_81 : vector<64xf32> to vector<64x1xf32>
    %eq3A_83 = vector.broadcast %broadcast_in_dim3A_82 : vector<64x1xf32> to vector<64x16384xf32>
    %eq3A_84 = arith.cmpf oeq, %convert_element_type3A_51, %eq3A_83 : vector<64x16384xf32>
    %jit3A_85 = arith.constant 0x7F800000 : f32
    %broadcast_in_dim3A_86 = vector.broadcast %jit3A_85 : f32 to vector<64x16384xf32>
    %select_n3A_87 = arith.select %eq3A_84, %broadcast_in_dim3A_86, %get3A_71 : vector<64x16384xi1>, vector<64x16384xf32>
    %swap3A_88 = arith.constant 0 : index
    %swap3A_89 = arith.constant 0 : index
    %swap3A_90 = vector.load %arg6[%swap3A_88, %swap3A_89] : memref<64x16384xf32, #tpu.memory_space<vmem>>, vector<64x16384xf32>
    tpu.vector_store %arg6[%swap3A_88, %swap3A_89], %select_n3A_87 {strides = array<i32>} : memref<64x16384xf32, #tpu.memory_space<vmem>>, vector<64x16384xf32>,
    %get3A_91 = arith.constant 0 : index
    %get3A_92 = arith.constant 0 : index
    %get3A_93 = vector.load %arg6[%get3A_91, %get3A_92] : memref<64x16384xf32, #tpu.memory_space<vmem>>, vector<64x16384xf32>
    %reduce_min3A_94 = arith.constant dense<0x7F800000> : vector<64xf32>
    %reduce_min3A_95 = vector.multi_reduction <minimumf>, %get3A_93, %reduce_min3A_94 [1] : vector<64x16384xf32> to vector<64xf32>
    %broadcast_in_dim3A_96 = vector.shape_cast %reduce_min3A_95 : vector<64xf32> to vector<64x1xf32>
    %eq3A_97 = vector.broadcast %broadcast_in_dim3A_96 : vector<64x1xf32> to vector<64x16384xf32>
    %eq3A_98 = arith.cmpf oeq, %get3A_93, %eq3A_97 : vector<64x16384xf32>
    %jit3A_99 = arith.constant 1.638400e+04 : f32
    %broadcast_in_dim3A_100 = vector.broadcast %jit3A_99 : f32 to vector<64x16384xf32>
    %select_n3A_101 = arith.select %eq3A_98, %convert_element_type3A_51, %broadcast_in_dim3A_100 : vector<64x16384xi1>, vector<64x16384xf32>
    %reduce_min3A_102 = arith.constant dense<0x7F800000> : vector<64xf32>
    %reduce_min3A_103 = vector.multi_reduction <minimumf>, %select_n3A_101, %reduce_min3A_102 [1] : vector<64x16384xf32> to vector<64xf32>
    %broadcast_in_dim3A_104 = vector.shape_cast %reduce_min3A_103 : vector<64xf32> to vector<64x1xf32>
    %eq3A_105 = vector.broadcast %broadcast_in_dim3A_104 : vector<64x1xf32> to vector<64x16384xf32>
    %eq3A_106 = arith.cmpf oeq, %convert_element_type3A_51, %eq3A_105 : vector<64x16384xf32>
    %jit3A_107 = arith.constant 0x7F800000 : f32
    %broadcast_in_dim3A_108 = vector.broadcast %jit3A_107 : f32 to vector<64x16384xf32>
    %select_n3A_109 = arith.select %eq3A_106, %broadcast_in_dim3A_108, %get3A_93 : vector<64x16384xi1>, vector<64x16384xf32>
    %swap3A_110 = arith.constant 0 : index
    %swap3A_111 = arith.constant 0 : index
    %swap3A_112 = vector.load %arg6[%swap3A_110, %swap3A_111] : memref<64x16384xf32, #tpu.memory_space<vmem>>, vector<64x16384xf32>
    tpu.vector_store %arg6[%swap3A_110, %swap3A_111], %select_n3A_109 {strides = array<i32>} : memref<64x16384xf32, #tpu.memory_space<vmem>>, vector<64x16384xf32>,
    %get3A_113 = arith.constant 0 : index
    %get3A_114 = arith.constant 0 : index
    %get3A_115 = vector.load %arg6[%get3A_113, %get3A_114] : memref<64x16384xf32, #tpu.memory_space<vmem>>, vector<64x16384xf32>
    %reduce_min3A_116 = arith.constant dense<0x7F800000> : vector<64xf32>
    %reduce_min3A_117 = vector.multi_reduction <minimumf>, %get3A_115, %reduce_min3A_116 [1] : vector<64x16384xf32> to vector<64xf32>
    %broadcast_in_dim3A_118 = vector.shape_cast %reduce_min3A_117 : vector<64xf32> to vector<64x1xf32>
    %eq3A_119 = vector.broadcast %broadcast_in_dim3A_118 : vector<64x1xf32> to vector<64x16384xf32>
    %eq3A_120 = arith.cmpf oeq, %get3A_115, %eq3A_119 : vector<64x16384xf32>
    %jit3A_121 = arith.constant 1.638400e+04 : f32
    %broadcast_in_dim3A_122 = vector.broadcast %jit3A_121 : f32 to vector<64x16384xf32>
    %select_n3A_123 = arith.select %eq3A_120, %convert_element_type3A_51, %broadcast_in_dim3A_122 : vector<64x16384xi1>, vector<64x16384xf32>
    %reduce_min3A_124 = arith.constant dense<0x7F800000> : vector<64xf32>
    %reduce_min3A_125 = vector.multi_reduction <minimumf>, %select_n3A_123, %reduce_min3A_124 [1] : vector<64x16384xf32> to vector<64xf32>
    %broadcast_in_dim3A_126 = vector.shape_cast %reduce_min3A_125 : vector<64xf32> to vector<64x1xf32>
    %eq3A_127 = vector.broadcast %broadcast_in_dim3A_126 : vector<64x1xf32> to vector<64x16384xf32>
    %eq3A_128 = arith.cmpf oeq, %convert_element_type3A_51, %eq3A_127 : vector<64x16384xf32>
    %jit3A_129 = arith.constant 0x7F800000 : f32
    %broadcast_in_dim3A_130 = vector.broadcast %jit3A_129 : f32 to vector<64x16384xf32>
    %select_n3A_131 = arith.select %eq3A_128, %broadcast_in_dim3A_130, %get3A_115 : vector<64x16384xi1>, vector<64x16384xf32>
    %swap3A_132 = arith.constant 0 : index
    %swap3A_133 = arith.constant 0 : index
    %swap3A_134 = vector.load %arg6[%swap3A_132, %swap3A_133] : memref<64x16384xf32, #tpu.memory_space<vmem>>, vector<64x16384xf32>
    tpu.vector_store %arg6[%swap3A_132, %swap3A_133], %select_n3A_131 {strides = array<i32>} : memref<64x16384xf32, #tpu.memory_space<vmem>>, vector<64x16384xf32>,
    %get3A_135 = arith.constant 0 : index
    %get3A_136 = arith.constant 0 : index
    %get3A_137 = vector.load %arg6[%get3A_135, %get3A_136] : memref<64x16384xf32, #tpu.memory_space<vmem>>, vector<64x16384xf32>
    %reduce_min3A_138 = arith.constant dense<0x7F800000> : vector<64xf32>
    %reduce_min3A_139 = vector.multi_reduction <minimumf>, %get3A_137, %reduce_min3A_138 [1] : vector<64x16384xf32> to vector<64xf32>
    %broadcast_in_dim3A_140 = vector.shape_cast %reduce_min3A_139 : vector<64xf32> to vector<64x1xf32>
    %eq3A_141 = vector.broadcast %broadcast_in_dim3A_140 : vector<64x1xf32> to vector<64x16384xf32>
    %eq3A_142 = arith.cmpf oeq, %get3A_137, %eq3A_141 : vector<64x16384xf32>
    %jit3A_143 = arith.constant 1.638400e+04 : f32
    %broadcast_in_dim3A_144 = vector.broadcast %jit3A_143 : f32 to vector<64x16384xf32>
    %select_n3A_145 = arith.select %eq3A_142, %convert_element_type3A_51, %broadcast_in_dim3A_144 : vector<64x16384xi1>, vector<64x16384xf32>
    %reduce_min3A_146 = arith.constant dense<0x7F800000> : vector<64xf32>
    %reduce_min3A_147 = vector.multi_reduction <minimumf>, %select_n3A_145, %reduce_min3A_146 [1] : vector<64x16384xf32> to vector<64xf32>
    %broadcast_in_dim3A_148 = vector.shape_cast %reduce_min3A_147 : vector<64xf32> to vector<64x1xf32>
    %eq3A_149 = vector.broadcast %broadcast_in_dim3A_148 : vector<64x1xf32> to vector<64x16384xf32>
    %eq3A_150 = arith.cmpf oeq, %convert_element_type3A_51, %eq3A_149 : vector<64x16384xf32>
    %jit3A_151 = arith.constant 0x7F800000 : f32
    %broadcast_in_dim3A_152 = vector.broadcast %jit3A_151 : f32 to vector<64x16384xf32>
    %select_n3A_153 = arith.select %eq3A_150, %broadcast_in_dim3A_152, %get3A_137 : vector<64x16384xi1>, vector<64x16384xf32>
    %swap3A_154 = arith.constant 0 : index
    %swap3A_155 = arith.constant 0 : index
    %swap3A_156 = vector.load %arg6[%swap3A_154, %swap3A_155] : memref<64x16384xf32, #tpu.memory_space<vmem>>, vector<64x16384xf32>
    tpu.vector_store %arg6[%swap3A_154, %swap3A_155], %select_n3A_153 {strides = array<i32>} : memref<64x16384xf32, #tpu.memory_space<vmem>>, vector<64x16384xf32>,
    %get3A_157 = arith.constant 0 : index
    %get3A_158 = arith.constant 0 : index
    %get3A_159 = vector.load %arg6[%get3A_157, %get3A_158] : memref<64x16384xf32, #tpu.memory_space<vmem>>, vector<64x16384xf32>
    %reduce_min3A_160 = arith.constant dense<0x7F800000> : vector<64xf32>
    %reduce_min3A_161 = vector.multi_reduction <minimumf>, %get3A_159, %reduce_min3A_160 [1] : vector<64x16384xf32> to vector<64xf32>
    %broadcast_in_dim3A_162 = vector.shape_cast %reduce_min3A_161 : vector<64xf32> to vector<64x1xf32>
    %eq3A_163 = vector.broadcast %broadcast_in_dim3A_162 : vector<64x1xf32> to vector<64x16384xf32>
    %eq3A_164 = arith.cmpf oeq, %get3A_159, %eq3A_163 : vector<64x16384xf32>
    %jit3A_165 = arith.constant 1.638400e+04 : f32
    %broadcast_in_dim3A_166 = vector.broadcast %jit3A_165 : f32 to vector<64x16384xf32>
    %select_n3A_167 = arith.select %eq3A_164, %convert_element_type3A_51, %broadcast_in_dim3A_166 : vector<64x16384xi1>, vector<64x16384xf32>
    %reduce_min3A_168 = arith.constant dense<0x7F800000> : vector<64xf32>
    %reduce_min3A_169 = vector.multi_reduction <minimumf>, %select_n3A_167, %reduce_min3A_168 [1] : vector<64x16384xf32> to vector<64xf32>
    %broadcast_in_dim3A_170 = vector.shape_cast %reduce_min3A_169 : vector<64xf32> to vector<64x1xf32>
    %eq3A_171 = vector.broadcast %broadcast_in_dim3A_170 : vector<64x1xf32> to vector<64x16384xf32>
    %eq3A_172 = arith.cmpf oeq, %convert_element_type3A_51, %eq3A_171 : vector<64x16384xf32>
    %jit3A_173 = arith.constant 0x7F800000 : f32
    %broadcast_in_dim3A_174 = vector.broadcast %jit3A_173 : f32 to vector<64x16384xf32>
    %select_n3A_175 = arith.select %eq3A_172, %broadcast_in_dim3A_174, %get3A_159 : vector<64x16384xi1>, vector<64x16384xf32>
    %swap3A_176 = arith.constant 0 : index
    %swap3A_177 = arith.constant 0 : index
    %swap3A_178 = vector.load %arg6[%swap3A_176, %swap3A_177] : memref<64x16384xf32, #tpu.memory_space<vmem>>, vector<64x16384xf32>
    tpu.vector_store %arg6[%swap3A_176, %swap3A_177], %select_n3A_175 {strides = array<i32>} : memref<64x16384xf32, #tpu.memory_space<vmem>>, vector<64x16384xf32>,
    %get3A_179 = arith.constant 0 : index
    %get3A_180 = arith.constant 0 : index
    %get3A_181 = vector.load %arg6[%get3A_179, %get3A_180] : memref<64x16384xf32, #tpu.memory_space<vmem>>, vector<64x16384xf32>
    %reduce_min3A_182 = arith.constant dense<0x7F800000> : vector<64xf32>
    %reduce_min3A_183 = vector.multi_reduction <minimumf>, %get3A_181, %reduce_min3A_182 [1] : vector<64x16384xf32> to vector<64xf32>
    %broadcast_in_dim3A_184 = vector.shape_cast %reduce_min3A_183 : vector<64xf32> to vector<64x1xf32>
    %eq3A_185 = vector.broadcast %broadcast_in_dim3A_184 : vector<64x1xf32> to vector<64x16384xf32>
    %eq3A_186 = arith.cmpf oeq, %get3A_181, %eq3A_185 : vector<64x16384xf32>
    %jit3A_187 = arith.constant 1.638400e+04 : f32
    %broadcast_in_dim3A_188 = vector.broadcast %jit3A_187 : f32 to vector<64x16384xf32>
    %select_n3A_189 = arith.select %eq3A_186, %convert_element_type3A_51, %broadcast_in_dim3A_188 : vector<64x16384xi1>, vector<64x16384xf32>
    %reduce_min3A_190 = arith.constant dense<0x7F800000> : vector<64xf32>
    %reduce_min3A_191 = vector.multi_reduction <minimumf>, %select_n3A_189, %reduce_min3A_190 [1] : vector<64x16384xf32> to vector<64xf32>
    %broadcast_in_dim3A_192 = vector.shape_cast %reduce_min3A_191 : vector<64xf32> to vector<64x1xf32>
    %eq3A_193 = vector.broadcast %broadcast_in_dim3A_192 : vector<64x1xf32> to vector<64x16384xf32>
    %eq3A_194 = arith.cmpf oeq, %convert_element_type3A_51, %eq3A_193 : vector<64x16384xf32>
    %jit3A_195 = arith.constant 0x7F800000 : f32
    %broadcast_in_dim3A_196 = vector.broadcast %jit3A_195 : f32 to vector<64x16384xf32>
    %select_n3A_197 = arith.select %eq3A_194, %broadcast_in_dim3A_196, %get3A_181 : vector<64x16384xi1>, vector<64x16384xf32>
    %swap3A_198 = arith.constant 0 : index
    %swap3A_199 = arith.constant 0 : index
    %swap3A_200 = vector.load %arg6[%swap3A_198, %swap3A_199] : memref<64x16384xf32, #tpu.memory_space<vmem>>, vector<64x16384xf32>
    tpu.vector_store %arg6[%swap3A_198, %swap3A_199], %select_n3A_197 {strides = array<i32>} : memref<64x16384xf32, #tpu.memory_space<vmem>>, vector<64x16384xf32>,
    %get3A_201 = arith.constant 0 : index
    %get3A_202 = arith.constant 0 : index
    %get3A_203 = vector.load %arg6[%get3A_201, %get3A_202] : memref<64x16384xf32, #tpu.memory_space<vmem>>, vector<64x16384xf32>
    %reduce_min3A_204 = arith.constant dense<0x7F800000> : vector<64xf32>
    %reduce_min3A_205 = vector.multi_reduction <minimumf>, %get3A_203, %reduce_min3A_204 [1] : vector<64x16384xf32> to vector<64xf32>
    %broadcast_in_dim3A_206 = vector.shape_cast %reduce_min3A_205 : vector<64xf32> to vector<64x1xf32>
    %eq3A_207 = vector.broadcast %broadcast_in_dim3A_206 : vector<64x1xf32> to vector<64x16384xf32>
    %eq3A_208 = arith.cmpf oeq, %get3A_203, %eq3A_207 : vector<64x16384xf32>
    %jit3A_209 = arith.constant 1.638400e+04 : f32
    %broadcast_in_dim3A_210 = vector.broadcast %jit3A_209 : f32 to vector<64x16384xf32>
    %select_n3A_211 = arith.select %eq3A_208, %convert_element_type3A_51, %broadcast_in_dim3A_210 : vector<64x16384xi1>, vector<64x16384xf32>
    %reduce_min3A_212 = arith.constant dense<0x7F800000> : vector<64xf32>
    %reduce_min3A_213 = vector.multi_reduction <minimumf>, %select_n3A_211, %reduce_min3A_212 [1] : vector<64x16384xf32> to vector<64xf32>
    %broadcast_in_dim3A_214 = vector.shape_cast %reduce_min3A_213 : vector<64xf32> to vector<64x1xf32>
    %eq3A_215 = vector.broadcast %broadcast_in_dim3A_214 : vector<64x1xf32> to vector<64x16384xf32>
    %eq3A_216 = arith.cmpf oeq, %convert_element_type3A_51, %eq3A_215 : vector<64x16384xf32>
    %jit3A_217 = arith.constant 0x7F800000 : f32
    %broadcast_in_dim3A_218 = vector.broadcast %jit3A_217 : f32 to vector<64x16384xf32>
    %select_n3A_219 = arith.select %eq3A_216, %broadcast_in_dim3A_218, %get3A_203 : vector<64x16384xi1>, vector<64x16384xf32>
    %swap3A_220 = arith.constant 0 : index
    %swap3A_221 = arith.constant 0 : index
    %swap3A_222 = vector.load %arg6[%swap3A_220, %swap3A_221] : memref<64x16384xf32, #tpu.memory_space<vmem>>, vector<64x16384xf32>
    tpu.vector_store %arg6[%swap3A_220, %swap3A_221], %select_n3A_219 {strides = array<i32>} : memref<64x16384xf32, #tpu.memory_space<vmem>>, vector<64x16384xf32>,
    %get3A_223 = arith.constant 0 : index
    %get3A_224 = arith.constant 0 : index
    %get3A_225 = vector.load %arg6[%get3A_223, %get3A_224] : memref<64x16384xf32, #tpu.memory_space<vmem>>, vector<64x16384xf32>
    %reduce_min3A_226 = arith.constant dense<0x7F800000> : vector<64xf32>
    %reduce_min3A_227 = vector.multi_reduction <minimumf>, %get3A_225, %reduce_min3A_226 [1] : vector<64x16384xf32> to vector<64xf32>
    %broadcast_in_dim3A_228 = vector.shape_cast %reduce_min3A_227 : vector<64xf32> to vector<64x1xf32>
    %eq3A_229 = vector.broadcast %broadcast_in_dim3A_228 : vector<64x1xf32> to vector<64x16384xf32>
    %eq3A_230 = arith.cmpf oeq, %get3A_225, %eq3A_229 : vector<64x16384xf32>
    %jit3A_231 = arith.constant 1.638400e+04 : f32
    %broadcast_in_dim3A_232 = vector.broadcast %jit3A_231 : f32 to vector<64x16384xf32>
    %select_n3A_233 = arith.select %eq3A_230, %convert_element_type3A_51, %broadcast_in_dim3A_232 : vector<64x16384xi1>, vector<64x16384xf32>
    %reduce_min3A_234 = arith.constant dense<0x7F800000> : vector<64xf32>
    %reduce_min3A_235 = vector.multi_reduction <minimumf>, %select_n3A_233, %reduce_min3A_234 [1] : vector<64x16384xf32> to vector<64xf32>
    %broadcast_in_dim3A_236 = vector.shape_cast %reduce_min3A_235 : vector<64xf32> to vector<64x1xf32>
    %eq3A_237 = vector.broadcast %broadcast_in_dim3A_236 : vector<64x1xf32> to vector<64x16384xf32>
    %eq3A_238 = arith.cmpf oeq, %convert_element_type3A_51, %eq3A_237 : vector<64x16384xf32>
    %jit3A_239 = arith.constant 0x7F800000 : f32
    %broadcast_in_dim3A_240 = vector.broadcast %jit3A_239 : f32 to vector<64x16384xf32>
    %select_n3A_241 = arith.select %eq3A_238, %broadcast_in_dim3A_240, %get3A_225 : vector<64x16384xi1>, vector<64x16384xf32>
    %swap3A_242 = arith.constant 0 : index
    %swap3A_243 = arith.constant 0 : index
    %swap3A_244 = vector.load %arg6[%swap3A_242, %swap3A_243] : memref<64x16384xf32, #tpu.memory_space<vmem>>, vector<64x16384xf32>
    tpu.vector_store %arg6[%swap3A_242, %swap3A_243], %select_n3A_241 {strides = array<i32>} : memref<64x16384xf32, #tpu.memory_space<vmem>>, vector<64x16384xf32>,
    %get3A_245 = arith.constant 0 : index
    %get3A_246 = arith.constant 0 : index
    %get3A_247 = vector.load %arg6[%get3A_245, %get3A_246] : memref<64x16384xf32, #tpu.memory_space<vmem>>, vector<64x16384xf32>
    %reduce_min3A_248 = arith.constant dense<0x7F800000> : vector<64xf32>
    %reduce_min3A_249 = vector.multi_reduction <minimumf>, %get3A_247, %reduce_min3A_248 [1] : vector<64x16384xf32> to vector<64xf32>
    %broadcast_in_dim3A_250 = vector.shape_cast %reduce_min3A_249 : vector<64xf32> to vector<64x1xf32>
    %eq3A_251 = vector.broadcast %broadcast_in_dim3A_250 : vector<64x1xf32> to vector<64x16384xf32>
    %eq3A_252 = arith.cmpf oeq, %get3A_247, %eq3A_251 : vector<64x16384xf32>
    %jit3A_253 = arith.constant 1.638400e+04 : f32
    %broadcast_in_dim3A_254 = vector.broadcast %jit3A_253 : f32 to vector<64x16384xf32>
    %select_n3A_255 = arith.select %eq3A_252, %convert_element_type3A_51, %broadcast_in_dim3A_254 : vector<64x16384xi1>, vector<64x16384xf32>
    %reduce_min3A_256 = arith.constant dense<0x7F800000> : vector<64xf32>
    %reduce_min3A_257 = vector.multi_reduction <minimumf>, %select_n3A_255, %reduce_min3A_256 [1] : vector<64x16384xf32> to vector<64xf32>
    %broadcast_in_dim3A_258 = vector.shape_cast %reduce_min3A_257 : vector<64xf32> to vector<64x1xf32>
    %eq3A_259 = vector.broadcast %broadcast_in_dim3A_258 : vector<64x1xf32> to vector<64x16384xf32>
    %eq3A_260 = arith.cmpf oeq, %convert_element_type3A_51, %eq3A_259 : vector<64x16384xf32>
    %jit3A_261 = arith.constant 0x7F800000 : f32
    %broadcast_in_dim3A_262 = vector.broadcast %jit3A_261 : f32 to vector<64x16384xf32>
    %select_n3A_263 = arith.select %eq3A_260, %broadcast_in_dim3A_262, %get3A_247 : vector<64x16384xi1>, vector<64x16384xf32>
    %swap3A_264 = arith.constant 0 : index
    %swap3A_265 = arith.constant 0 : index
    %swap3A_266 = vector.load %arg6[%swap3A_264, %swap3A_265] : memref<64x16384xf32, #tpu.memory_space<vmem>>, vector<64x16384xf32>
    tpu.vector_store %arg6[%swap3A_264, %swap3A_265], %select_n3A_263 {strides = array<i32>} : memref<64x16384xf32, #tpu.memory_space<vmem>>, vector<64x16384xf32>,
    %get3A_267 = arith.constant 0 : index
    %get3A_268 = arith.constant 0 : index
    %get3A_269 = vector.load %arg6[%get3A_267, %get3A_268] : memref<64x16384xf32, #tpu.memory_space<vmem>>, vector<64x16384xf32>
    %reduce_min3A_270 = arith.constant dense<0x7F800000> : vector<64xf32>
    %reduce_min3A_271 = vector.multi_reduction <minimumf>, %get3A_269, %reduce_min3A_270 [1] : vector<64x16384xf32> to vector<64xf32>
    %broadcast_in_dim3A_272 = vector.shape_cast %reduce_min3A_271 : vector<64xf32> to vector<64x1xf32>
    %eq3A_273 = vector.broadcast %broadcast_in_dim3A_272 : vector<64x1xf32> to vector<64x16384xf32>
    %eq3A_274 = arith.cmpf oeq, %get3A_269, %eq3A_273 : vector<64x16384xf32>
    %jit3A_275 = arith.constant 1.638400e+04 : f32
    %broadcast_in_dim3A_276 = vector.broadcast %jit3A_275 : f32 to vector<64x16384xf32>
    %select_n3A_277 = arith.select %eq3A_274, %convert_element_type3A_51, %broadcast_in_dim3A_276 : vector<64x16384xi1>, vector<64x16384xf32>
    %reduce_min3A_278 = arith.constant dense<0x7F800000> : vector<64xf32>
    %reduce_min3A_279 = vector.multi_reduction <minimumf>, %select_n3A_277, %reduce_min3A_278 [1] : vector<64x16384xf32> to vector<64xf32>
    %broadcast_in_dim3A_280 = vector.shape_cast %reduce_min3A_279 : vector<64xf32> to vector<64x1xf32>
    %eq3A_281 = vector.broadcast %broadcast_in_dim3A_280 : vector<64x1xf32> to vector<64x16384xf32>
    %eq3A_282 = arith.cmpf oeq, %convert_element_type3A_51, %eq3A_281 : vector<64x16384xf32>
    %jit3A_283 = arith.constant 0x7F800000 : f32
    %broadcast_in_dim3A_284 = vector.broadcast %jit3A_283 : f32 to vector<64x16384xf32>
    %select_n3A_285 = arith.select %eq3A_282, %broadcast_in_dim3A_284, %get3A_269 : vector<64x16384xi1>, vector<64x16384xf32>
    %swap3A_286 = arith.constant 0 : index
    %swap3A_287 = arith.constant 0 : index
    %swap3A_288 = vector.load %arg6[%swap3A_286, %swap3A_287] : memref<64x16384xf32, #tpu.memory_space<vmem>>, vector<64x16384xf32>
    tpu.vector_store %arg6[%swap3A_286, %swap3A_287], %select_n3A_285 {strides = array<i32>} : memref<64x16384xf32, #tpu.memory_space<vmem>>, vector<64x16384xf32>,
    %get3A_289 = arith.constant 0 : index
    %get3A_290 = arith.constant 0 : index
    %get3A_291 = vector.load %arg6[%get3A_289, %get3A_290] : memref<64x16384xf32, #tpu.memory_space<vmem>>, vector<64x16384xf32>
    %reduce_min3A_292 = arith.constant dense<0x7F800000> : vector<64xf32>
    %reduce_min3A_293 = vector.multi_reduction <minimumf>, %get3A_291, %reduce_min3A_292 [1] : vector<64x16384xf32> to vector<64xf32>
    %broadcast_in_dim3A_294 = vector.shape_cast %reduce_min3A_293 : vector<64xf32> to vector<64x1xf32>
    %eq3A_295 = vector.broadcast %broadcast_in_dim3A_294 : vector<64x1xf32> to vector<64x16384xf32>
    %eq3A_296 = arith.cmpf oeq, %get3A_291, %eq3A_295 : vector<64x16384xf32>
    %jit3A_297 = arith.constant 1.638400e+04 : f32
    %broadcast_in_dim3A_298 = vector.broadcast %jit3A_297 : f32 to vector<64x16384xf32>
    %select_n3A_299 = arith.select %eq3A_296, %convert_element_type3A_51, %broadcast_in_dim3A_298 : vector<64x16384xi1>, vector<64x16384xf32>
    %reduce_min3A_300 = arith.constant dense<0x7F800000> : vector<64xf32>
    %reduce_min3A_301 = vector.multi_reduction <minimumf>, %select_n3A_299, %reduce_min3A_300 [1] : vector<64x16384xf32> to vector<64xf32>
    %broadcast_in_dim3A_302 = vector.shape_cast %reduce_min3A_301 : vector<64xf32> to vector<64x1xf32>
    %eq3A_303 = vector.broadcast %broadcast_in_dim3A_302 : vector<64x1xf32> to vector<64x16384xf32>
    %eq3A_304 = arith.cmpf oeq, %convert_element_type3A_51, %eq3A_303 : vector<64x16384xf32>
    %jit3A_305 = arith.constant 0x7F800000 : f32
    %broadcast_in_dim3A_306 = vector.broadcast %jit3A_305 : f32 to vector<64x16384xf32>
    %select_n3A_307 = arith.select %eq3A_304, %broadcast_in_dim3A_306, %get3A_291 : vector<64x16384xi1>, vector<64x16384xf32>
    %swap3A_308 = arith.constant 0 : index
    %swap3A_309 = arith.constant 0 : index
    %swap3A_310 = vector.load %arg6[%swap3A_308, %swap3A_309] : memref<64x16384xf32, #tpu.memory_space<vmem>>, vector<64x16384xf32>
    tpu.vector_store %arg6[%swap3A_308, %swap3A_309], %select_n3A_307 {strides = array<i32>} : memref<64x16384xf32, #tpu.memory_space<vmem>>, vector<64x16384xf32>,
    %get3A_311 = arith.constant 0 : index
    %get3A_312 = arith.constant 0 : index
    %get3A_313 = vector.load %arg6[%get3A_311, %get3A_312] : memref<64x16384xf32, #tpu.memory_space<vmem>>, vector<64x16384xf32>
    %reduce_min3A_314 = arith.constant dense<0x7F800000> : vector<64xf32>
    %reduce_min3A_315 = vector.multi_reduction <minimumf>, %get3A_313, %reduce_min3A_314 [1] : vector<64x16384xf32> to vector<64xf32>
    %broadcast_in_dim3A_316 = vector.shape_cast %reduce_min3A_315 : vector<64xf32> to vector<64x1xf32>
    %eq3A_317 = vector.broadcast %broadcast_in_dim3A_316 : vector<64x1xf32> to vector<64x16384xf32>
    %eq3A_318 = arith.cmpf oeq, %get3A_313, %eq3A_317 : vector<64x16384xf32>
    %jit3A_319 = arith.constant 1.638400e+04 : f32
    %broadcast_in_dim3A_320 = vector.broadcast %jit3A_319 : f32 to vector<64x16384xf32>
    %select_n3A_321 = arith.select %eq3A_318, %convert_element_type3A_51, %broadcast_in_dim3A_320 : vector<64x16384xi1>, vector<64x16384xf32>
    %reduce_min3A_322 = arith.constant dense<0x7F800000> : vector<64xf32>
    %reduce_min3A_323 = vector.multi_reduction <minimumf>, %select_n3A_321, %reduce_min3A_322 [1] : vector<64x16384xf32> to vector<64xf32>
    %broadcast_in_dim3A_324 = vector.shape_cast %reduce_min3A_323 : vector<64xf32> to vector<64x1xf32>
    %eq3A_325 = vector.broadcast %broadcast_in_dim3A_324 : vector<64x1xf32> to vector<64x16384xf32>
    %eq3A_326 = arith.cmpf oeq, %convert_element_type3A_51, %eq3A_325 : vector<64x16384xf32>
    %jit3A_327 = arith.constant 0x7F800000 : f32
    %broadcast_in_dim3A_328 = vector.broadcast %jit3A_327 : f32 to vector<64x16384xf32>
    %select_n3A_329 = arith.select %eq3A_326, %broadcast_in_dim3A_328, %get3A_313 : vector<64x16384xi1>, vector<64x16384xf32>
    %swap3A_330 = arith.constant 0 : index
    %swap3A_331 = arith.constant 0 : index
    %swap3A_332 = vector.load %arg6[%swap3A_330, %swap3A_331] : memref<64x16384xf32, #tpu.memory_space<vmem>>, vector<64x16384xf32>
    tpu.vector_store %arg6[%swap3A_330, %swap3A_331], %select_n3A_329 {strides = array<i32>} : memref<64x16384xf32, #tpu.memory_space<vmem>>, vector<64x16384xf32>,
    %get3A_333 = arith.constant 0 : index
    %get3A_334 = arith.constant 0 : index
    %get3A_335 = vector.load %arg6[%get3A_333, %get3A_334] : memref<64x16384xf32, #tpu.memory_space<vmem>>, vector<64x16384xf32>
    %reduce_min3A_336 = arith.constant dense<0x7F800000> : vector<64xf32>
    %reduce_min3A_337 = vector.multi_reduction <minimumf>, %get3A_335, %reduce_min3A_336 [1] : vector<64x16384xf32> to vector<64xf32>
    %broadcast_in_dim3A_338 = vector.shape_cast %reduce_min3A_337 : vector<64xf32> to vector<64x1xf32>
    %eq3A_339 = vector.broadcast %broadcast_in_dim3A_338 : vector<64x1xf32> to vector<64x16384xf32>
    %eq3A_340 = arith.cmpf oeq, %get3A_335, %eq3A_339 : vector<64x16384xf32>
    %jit3A_341 = arith.constant 1.638400e+04 : f32
    %broadcast_in_dim3A_342 = vector.broadcast %jit3A_341 : f32 to vector<64x16384xf32>
    %select_n3A_343 = arith.select %eq3A_340, %convert_element_type3A_51, %broadcast_in_dim3A_342 : vector<64x16384xi1>, vector<64x16384xf32>
    %reduce_min3A_344 = arith.constant dense<0x7F800000> : vector<64xf32>
    %reduce_min3A_345 = vector.multi_reduction <minimumf>, %select_n3A_343, %reduce_min3A_344 [1] : vector<64x16384xf32> to vector<64xf32>
    %broadcast_in_dim3A_346 = vector.shape_cast %reduce_min3A_345 : vector<64xf32> to vector<64x1xf32>
    %eq3A_347 = vector.broadcast %broadcast_in_dim3A_346 : vector<64x1xf32> to vector<64x16384xf32>
    %eq3A_348 = arith.cmpf oeq, %convert_element_type3A_51, %eq3A_347 : vector<64x16384xf32>
    %jit3A_349 = arith.constant 0x7F800000 : f32
    %broadcast_in_dim3A_350 = vector.broadcast %jit3A_349 : f32 to vector<64x16384xf32>
    %select_n3A_351 = arith.select %eq3A_348, %broadcast_in_dim3A_350, %get3A_335 : vector<64x16384xi1>, vector<64x16384xf32>
    %swap3A_352 = arith.constant 0 : index
    %swap3A_353 = arith.constant 0 : index
    %swap3A_354 = vector.load %arg6[%swap3A_352, %swap3A_353] : memref<64x16384xf32, #tpu.memory_space<vmem>>, vector<64x16384xf32>
    tpu.vector_store %arg6[%swap3A_352, %swap3A_353], %select_n3A_351 {strides = array<i32>} : memref<64x16384xf32, #tpu.memory_space<vmem>>, vector<64x16384xf32>,
    %get3A_355 = arith.constant 0 : index
    %get3A_356 = arith.constant 0 : index
    %get3A_357 = vector.load %arg6[%get3A_355, %get3A_356] : memref<64x16384xf32, #tpu.memory_space<vmem>>, vector<64x16384xf32>
    %reduce_min3A_358 = arith.constant dense<0x7F800000> : vector<64xf32>
    %reduce_min3A_359 = vector.multi_reduction <minimumf>, %get3A_357, %reduce_min3A_358 [1] : vector<64x16384xf32> to vector<64xf32>
    %broadcast_in_dim3A_360 = vector.shape_cast %reduce_min3A_359 : vector<64xf32> to vector<64x1xf32>
    %eq3A_361 = vector.broadcast %broadcast_in_dim3A_360 : vector<64x1xf32> to vector<64x16384xf32>
    %eq3A_362 = arith.cmpf oeq, %get3A_357, %eq3A_361 : vector<64x16384xf32>
    %jit3A_363 = arith.constant 1.638400e+04 : f32
    %broadcast_in_dim3A_364 = vector.broadcast %jit3A_363 : f32 to vector<64x16384xf32>
    %select_n3A_365 = arith.select %eq3A_362, %convert_element_type3A_51, %broadcast_in_dim3A_364 : vector<64x16384xi1>, vector<64x16384xf32>
    %reduce_min3A_366 = arith.constant dense<0x7F800000> : vector<64xf32>
    %reduce_min3A_367 = vector.multi_reduction <minimumf>, %select_n3A_365, %reduce_min3A_366 [1] : vector<64x16384xf32> to vector<64xf32>
    %broadcast_in_dim3A_368 = vector.shape_cast %reduce_min3A_367 : vector<64xf32> to vector<64x1xf32>
    %eq3A_369 = vector.broadcast %broadcast_in_dim3A_368 : vector<64x1xf32> to vector<64x16384xf32>
    %eq3A_370 = arith.cmpf oeq, %convert_element_type3A_51, %eq3A_369 : vector<64x16384xf32>
    %jit3A_371 = arith.constant 0x7F800000 : f32
    %broadcast_in_dim3A_372 = vector.broadcast %jit3A_371 : f32 to vector<64x16384xf32>
    %select_n3A_373 = arith.select %eq3A_370, %broadcast_in_dim3A_372, %get3A_357 : vector<64x16384xi1>, vector<64x16384xf32>
    %swap3A_374 = arith.constant 0 : index
    %swap3A_375 = arith.constant 0 : index
    %swap3A_376 = vector.load %arg6[%swap3A_374, %swap3A_375] : memref<64x16384xf32, #tpu.memory_space<vmem>>, vector<64x16384xf32>
    tpu.vector_store %arg6[%swap3A_374, %swap3A_375], %select_n3A_373 {strides = array<i32>} : memref<64x16384xf32, #tpu.memory_space<vmem>>, vector<64x16384xf32>,
    %get3A_377 = arith.constant 0 : index
    %get3A_378 = arith.constant 0 : index
    %get3A_379 = vector.load %arg6[%get3A_377, %get3A_378] : memref<64x16384xf32, #tpu.memory_space<vmem>>, vector<64x16384xf32>
    %reduce_min3A_380 = arith.constant dense<0x7F800000> : vector<64xf32>
    %reduce_min3A_381 = vector.multi_reduction <minimumf>, %get3A_379, %reduce_min3A_380 [1] : vector<64x16384xf32> to vector<64xf32>
    %broadcast_in_dim3A_382 = vector.shape_cast %reduce_min3A_381 : vector<64xf32> to vector<64x1xf32>
    %eq3A_383 = vector.broadcast %broadcast_in_dim3A_382 : vector<64x1xf32> to vector<64x16384xf32>
    %eq3A_384 = arith.cmpf oeq, %get3A_379, %eq3A_383 : vector<64x16384xf32>
    %jit3A_385 = arith.constant 1.638400e+04 : f32
    %broadcast_in_dim3A_386 = vector.broadcast %jit3A_385 : f32 to vector<64x16384xf32>
    %select_n3A_387 = arith.select %eq3A_384, %convert_element_type3A_51, %broadcast_in_dim3A_386 : vector<64x16384xi1>, vector<64x16384xf32>
    %reduce_min3A_388 = arith.constant dense<0x7F800000> : vector<64xf32>
    %reduce_min3A_389 = vector.multi_reduction <minimumf>, %select_n3A_387, %reduce_min3A_388 [1] : vector<64x16384xf32> to vector<64xf32>
    %broadcast_in_dim3A_390 = vector.shape_cast %reduce_min3A_389 : vector<64xf32> to vector<64x1xf32>
    %eq3A_391 = vector.broadcast %broadcast_in_dim3A_390 : vector<64x1xf32> to vector<64x16384xf32>
    %eq3A_392 = arith.cmpf oeq, %convert_element_type3A_51, %eq3A_391 : vector<64x16384xf32>
    %jit3A_393 = arith.constant 0x7F800000 : f32
    %broadcast_in_dim3A_394 = vector.broadcast %jit3A_393 : f32 to vector<64x16384xf32>
    %select_n3A_395 = arith.select %eq3A_392, %broadcast_in_dim3A_394, %get3A_379 : vector<64x16384xi1>, vector<64x16384xf32>
    %swap3A_396 = arith.constant 0 : index
    %swap3A_397 = arith.constant 0 : index
    %swap3A_398 = vector.load %arg6[%swap3A_396, %swap3A_397] : memref<64x16384xf32, #tpu.memory_space<vmem>>, vector<64x16384xf32>
    tpu.vector_store %arg6[%swap3A_396, %swap3A_397], %select_n3A_395 {strides = array<i32>} : memref<64x16384xf32, #tpu.memory_space<vmem>>, vector<64x16384xf32>,
    %concatenate3A = tpu.concatenate %broadcast_in_dim3A_60, %broadcast_in_dim3A_82, %broadcast_in_dim3A_104, %broadcast_in_dim3A_126, %broadcast_in_dim3A_148, %broadcast_in_dim3A_170, %broadcast_in_dim3A_192, %broadcast_in_dim3A_214, %broadcast_in_dim3A_236, %broadcast_in_dim3A_258, %broadcast_in_dim3A_280, %broadcast_in_dim3A_302, %broadcast_in_dim3A_324, %broadcast_in_dim3A_346, %broadcast_in_dim3A_368, %broadcast_in_dim3A_390 in 1 : vector<64x1xf32>, vector<64x1xf32>, vector<64x1xf32>, vector<64x1xf32>, vector<64x1xf32>, vector<64x1xf32>, vector<64x1xf32>, vector<64x1xf32>, vector<64x1xf32>, vector<64x1xf32>, vector<64x1xf32>, vector<64x1xf32>, vector<64x1xf32>, vector<64x1xf32>, vector<64x1xf32>, vector<64x1xf32> -> vector<64x16xf32>
    %convert_element_type3A_399 = arith.fptosi %concatenate3A : vector<64x16xf32> to vector<64x16xi32>
    %swap3A_400 = arith.constant 0 : index
    %swap3A_401 = arith.constant 0 : index
    %swap3A_402 = vector.load %arg5[%swap3A_400, %swap3A_401] : memref<64x16xi32, #tpu.memory_space<vmem>>, vector<64x16xi32>
    tpu.vector_store %arg5[%swap3A_400, %swap3A_401], %convert_element_type3A_399 {strides = array<i32>} : memref<64x16xi32, #tpu.memory_space<vmem>>, vector<64x16xi32>,
    return
  }
  func.func @transform_0(%arg0: i32) -> (i32, i32) {
    %c0_i32 = arith.constant 0 : i32
    %c0_i32_0 = arith.constant 0 : i32
    return %arg0, %c0_i32 : i32, i32
  }
  func.func @transform_1(%arg0: i32) -> (i32, i32) {
    %c0_i32 = arith.constant 0 : i32
    %c0_i32_0 = arith.constant 0 : i32
    %c0_i32_1 = arith.constant 0 : i32
    return %c0_i32, %c0_i32_0 : i32, i32
  }
  func.func @transform_2(%arg0: i32) -> (i32, i32) {
    %c0_i32 = arith.constant 0 : i32
    %c0_i32_0 = arith.constant 0 : i32
    %c0_i32_1 = arith.constant 0 : i32
    return %c0_i32, %c0_i32_0 : i32, i32
  }
  func.func @transform_3(%arg0: i32) -> (i32, i32) {
    %c0_i32 = arith.constant 0 : i32
    %c0_i32_0 = arith.constant 0 : i32
    %c0_i32_1 = arith.constant 0 : i32
    return %c0_i32, %c0_i32_0 : i32, i32
  }
  func.func @transform_4(%arg0: i32) -> (i32, i32) {
    %c0_i32 = arith.constant 0 : i32
    %c0_i32_0 = arith.constant 0 : i32
    return %arg0, %c0_i32 : i32, i32
  }
}

</mosaic_0001>

<sc_bundles>
// kernel: kernel.5.cloned.1.call-start
scs
__scs_entry_jumppad:
0x0: {  	(pc) =	sbr.rel $0x88, $3  }
0x1: {  	(tag) =	ssettag $0x0;
	lr =	simm.s32 $0x1  }
0x2: {  	[smem:$0x3FA0] =	sst lr;
	_ =	strace $0xD0000000  }
0x3: {  	_ = 	snop  }
0x4: {  	_ = 	snop  }
0x5: {  	_ = 	snop  }
0x6: {  	_ = 	snop  }
0x7: {  	_ = 	snop  }
__scs_overlays_trampoline_lowered:
0x8: {  	[smem:$0x3FAF] =	sst s0  }
0x9: {  	[smem:$0x3FB0] =	sst s1  }
0xa: {  	[smem:$0x3FB1] =	sst s2  }
0xb: {  	[smem:$0x3FB2] =	sst s3  }
0xc: {  	[smem:$0x3FB3] =	sst s4  }
0xd: {  	[smem:$0x3FB4] =	sst s5  }
0xe: {  	[smem:$0x3FB5] =	sst s6  }
0xf: {  	[smem:$0x3FB6] =	sst s7  }
0x10: {  	[smem:$0x3FB7] =	sst s8  }
0x11: {  	[smem:$0x3FB8] =	sst s9;
	s0 =	simm.s32 @!p0 $0x0  }
0x12: {  	s1 =	sld [smem:$0x3F9E];
	s0 =	simm.s32 @p0 $0x1  }
0x13: {  	[smem:$0x3FB9] =	sst s0;
	s0 =	simm.s32 @!p1 $0x0  }
0x14: {  	s2 =	sld [smem:$0x3F9D];
	s0 =	simm.s32 @p1 $0x1  }
0x15: {  	[smem:$0x3FBA] =	sst s0;
	s0 =	simm.s32 @!p2 $0x0  }
0x16: {  	s3 =	sld [smem:$0x3FDB];
	s0 =	simm.s32 @p2 $0x1  }
0x17: {  	s4 =	simm.s32 $0x1BF5;
	[smem:$0x3FBC] =	sst s0  }
0x18: {  	s0 =	sld [smem:$0x3F9F];
	_ =	swait.ge [sflag:s4], $0x0  }
0x19: {  	s7 =	sld [smem:$0x3FA0]  }
0x1a: {  	s8 =	sadd.s32 $0xFFFFE003, lr  }
0x1b: {  	s9 =	sadd.s32 $0xFFFFFEF7, lr;
	s5 =	simm.s32 $0xFFFFFFFF;
	p2 =	slt.u32 s8, $0xFFFFF086  }
0x1c: {  	p1 =	slt.u32 s9, $0xF7A;
	s5 =	simm.s32 @!p2 $0x0  }
0x1d: {  	s5 =	simm.s32 @p1 $0x1;
	p0 =	seq.s32 s7, s2  }
0x1e: {  	s7 =	smul.u32 @!p0 $0xF7A, s2;
	p2 =	seq.s32 @!p0 s5, $0x0  }
0x1f: {  	s9 =	smul.u32 $0xF7A, s1;
	s8 =	simm.s32 @!p0 $0x1BF5;
	p2 =	por !p2, p0  }
0x20: {  	[sflag:s8] =	ssyncset.s32 @!p0 $0xFFFFF086;
	s6 =	sadd.s32 @!p0 s3, s7;
	s7 =	simm.s32 @!p0 $0x108  }
0x21: {  	s3 =	sadd.s32 s3, s9;
	s6 =	sadd.s32 @!p0 $0x88, s6;
	s7 =	simm.s32 @p2 $0x1082  }
0x22: {  	[simem:s7], [sflag:s8] =	dma.local @!p0 [hbm:s6], $0xF7A  }
0x23: {  	s9 =	sor.u32 $0xD0000000, s2;
	s6 =	simm.s32 $0x108;
	_ =	swait.ge @!p0 [sflag:s8], $0x0  }
0x24: {  	s3 =	sadd.s32 $0x88, s3;
	s6 =	simm.s32 @!p1 $0x1082;
	[sflag:s4] =	ssyncset.s32 $0xFFFFF086  }
0x25: {  	[simem:s6], [sflag:s4] =	dma.local [hbm:s3], $0xF7A  }
0x26: {  	[smem:$0x3FA0] =	sst s1;
	(tag) =	ssettag s2;
	_ =	strace s9  }
0x27: {  	s1 =	sld [smem:$0x3FB0]  }
0x28: {  	s2 =	sld [smem:$0x3FB1]  }
0x29: {  	s4 =	sld [smem:$0x3FB3]  }
0x2a: {  	p0 =	seq.s32 s5, $0x0;
	s5 =	sld [smem:$0x3FB4]  }
0x2b: {  	s6 =	sld [smem:$0x3FB5]  }
0x2c: {  	s7 =	sld [smem:$0x3FB6]  }
0x2d: {  	s3 =	simm.s32 $0x108;
	s8 =	sld [smem:$0x3FB7]  }
0x2e: {  	s3 =	simm.s32 @!p0 $0x1082;
	s9 =	sld [smem:$0x3FB8]  }
0x2f: {  	lr =	sadd.s32 s0, s3;
	s0 =	sld [smem:$0x3FAF]  }
0x30: {  	s3 =	sld [smem:$0x3FB2]  }
0x31: {  	[smem:$0x3FBB] =	sst s10  }
0x32: {  	s10 =	sld [smem:$0x3FB9];
	_ =	sdelay $0x3  }
0x33: {  	p0 =	seq.s32 s10, $0x1;
	s10 =	sld [smem:$0x3FBB];
	_ =	sdelay $0x3  }
0x34: {  	[smem:$0x3FBB] =	sst s10  }
0x35: {  	s10 =	sld [smem:$0x3FBA];
	_ =	sdelay $0x3  }
0x36: {  	p1 =	seq.s32 s10, $0x1;
	s10 =	sld [smem:$0x3FBB];
	_ =	sdelay $0x3  }
0x37: {  	[smem:$0x3FBB] =	sst s10  }
0x38: {  	s10 =	sld [smem:$0x3FBC]  }
0x39: {  	_ = 	snop;
	(pc) =	sbr.ind lr, $3  }
0x3a: {  	_ = 	snop  }
0x3b: {  	_ = 	snop  }
0x3c: {  	p2 =	seq.s32 s10, $0x1;
	s10 =	sld [smem:$0x3FBB]  }
0x3d: {  	_ =	shalt  }
0x3e: {  	_ =	shalt  }
0x3f: {  	_ =	shalt  }
0x40: {  	_ =	shalt  }
0x41: {  	_ =	shalt  }
0x42: {  	_ =	shalt  }
0x43: {  	_ =	shalt  }
0x44: {  	_ =	shalt  }
0x45: {  	_ =	shalt  }
0x46: {  	_ =	shalt  }
0x47: {  	_ =	shalt  }
0x48: {  	_ =	shalt  }
0x49: {  	_ =	shalt  }
0x4a: {  	_ =	shalt  }
0x4b: {  	_ =	shalt  }
0x4c: {  	_ =	shalt  }
0x4d: {  	_ =	shalt  }
0x4e: {  	_ =	shalt  }
0x4f: {  	_ =	shalt  }
0x50: {  	_ =	shalt  }
0x51: {  	_ =	shalt  }
0x52: {  	_ =	shalt  }
0x53: {  	_ =	shalt  }
0x54: {  	_ =	shalt  }
0x55: {  	_ =	shalt  }
0x56: {  	_ =	shalt  }
0x57: {  	_ =	shalt  }
0x58: {  	_ =	shalt  }
0x59: {  	_ =	shalt  }
0x5a: {  	_ =	shalt  }
0x5b: {  	_ =	shalt  }
0x5c: {  	_ =	shalt  }
0x5d: {  	_ =	shalt  }
0x5e: {  	_ =	shalt  }
0x5f: {  	_ =	shalt  }
0x60: {  	_ =	shalt  }
0x61: {  	_ =	shalt  }
0x62: {  	_ =	shalt  }
0x63: {  	_ =	shalt  }
0x64: {  	_ =	shalt  }
0x65: {  	_ =	shalt  }
0x66: {  	_ =	shalt  }
0x67: {  	_ =	shalt  }
0x68: {  	_ =	shalt  }
0x69: {  	_ =	shalt  }
0x6a: {  	_ =	shalt  }
0x6b: {  	_ =	shalt  }
0x6c: {  	_ =	shalt  }
0x6d: {  	_ =	shalt  }
0x6e: {  	_ =	shalt  }
0x6f: {  	_ =	shalt  }
0x70: {  	_ =	shalt  }
0x71: {  	_ =	shalt  }
0x72: {  	_ =	shalt  }
0x73: {  	_ =	shalt  }
0x74: {  	_ =	shalt  }
0x75: {  	_ =	shalt  }
0x76: {  	_ =	shalt  }
0x77: {  	_ =	shalt  }
0x78: {  	_ =	shalt  }
0x79: {  	_ =	shalt  }
0x7a: {  	_ =	shalt  }
0x7b: {  	_ =	shalt  }
0x7c: {  	_ =	shalt  }
0x7d: {  	_ =	shalt  }
0x7e: {  	_ =	shalt  }
0x7f: {  	_ =	shalt  }
0x80: {  	_ =	shalt  }
0x81: {  	_ =	shalt  }
0x82: {  	_ =	shalt  }
0x83: {  	_ =	shalt  }
0x84: {  	_ =	shalt  }
0x85: {  	_ =	shalt  }
0x86: {  	_ =	shalt  }
0x87: {  	_ =	shalt  }
.Lfunc_end0:
.L_simem_size_0:
called_computation_lowered:
.L_overlay_start_0:
0x88: {  	s2 =	sld [smem:$0x3FD9]  }
0x89: {  	s3 =	sld [smem:$0x3FFE];
	_ =	sdelay $0x1  }
0x8a: {  	s1 =	srdreg.scid  }
0x8b: {  	s0 =	sand.u32 $0x1, s1  }
0x8c: {  	s17 =	sshll.u32 s0, $0xA;
	s2 =	sadd.s32 s3, s2  }
0x8d: {  	s2 =	sadd.s32 s2, s17  }
0x8e: {  	[smem:$0x3FC7] =	sst s2  }
0x8f: {  	_ = 	snop  }
0x90: {  	s2 =	sld [smem:$0x3FD0];
	(tm) =	ssettm $0x1  }
0x91: {  	s18 =	sld [smem:$0x3FFB];
	_ =	sdelay $0x3  }
0x92: {  	_ =	strace s18  }
0x93: {  	s3 =	sld [smem:$0x3FFC];
	_ =	sdelay $0x3  }
0x94: {  	_ =	strace s3  }
0x95: {  	s3 =	sld [smem:$0x3FFD];
	_ =	sdelay $0x3  }
0x96: {  	_ =	strace s3  }
0x97: {  	_ =	strace $0x8FFFFFFF  }
0x98: {  	s19 =	sld [smem:$0x3FDB];
	_ =	sdelay $0x1  }
0x99: {  	s4 =	simm.s32 $_scs_section_size  }
0x9a: {  	s5 =	simm.s32 $_size__tile_overlayer_lowered;
	s6 =	simm.s32 $_tile_overlayer_lowered  }
0x9b: {  	s22 =	simm.s32 $0x1BFF;
	s21 =	sshll.u32 s6, $0x1;
	s3 =	sadd.s32 s4, s19  }
0x9c: {  	s7 =	simm.s32 $0x0;
	s20 =	sshll.u32 s5, $0x1;
	s5 =	sadd.s32 s21, s3  }
0x9d: {  	[timem:s7], [sflag:s22] =	dma.local [hbm:s5], s20  }
0x9e: {  	_ =	swait.ge [sflag:s22], s20  }
0x9f: {  	s4 =	ssub.s32 $0x0, s20;
	[sflag:s22] =	ssyncset.done $0x0  }
0xa0: {  	[sflag:s22] =	ssyncadd.s32 s4;
	_ =	sdelay $0x1  }
0xa1: {  	s23 =	simm.s32 $0x1B8B  }
0xa2: {  	_ =	swait.ge [sflag:s23], $0x1  }
0xa3: {  	[sflag:s23] =	ssyncset.done $0x0  }
0xa4: {  	s25 =	simm.s32 $0x1B8E;
	s24 =	sld [smem:$0x3FFE];
	[sflag:s23] =	ssyncadd.s32 $0xFFFFFFFF  }
0xa5: {  	s26 =	simm.s32 $execute0_lowered;
	[smem:$0x3FD2] =	sst s25  }
0xa6: {  	s5 =	sshll.u32 s26, $0x1;
	_ =	strace $0x80000046;
	[dreg:$0x1] =	wrdreg $0xFFFFFFFF  }
0xa7: {  	s28 =	simm.s32 $_size_execute0_lowered;
	s3 =	sadd.s32 s3, s5;
	[dreg:$0x0] =	wrdreg $0x0  }
0xa8: {  	s5 =	sshll.u32 s28, $0x1;
	[dreg:$0x2] =	wrdreg s3  }
0xa9: {  	[dreg:$0x3] =	wrdreg s5  }
0xaa: {  	[dreg:$0x4] =	wrdreg $0xC0  }
0xab: {  	_ =	task [dreg:s7], $0x5FFFF  }
0xac: {  	[dreg:$0x1] =	wrdreg $0xFFFFFFFF  }
0xad: {  	[dreg:$0x0] =	wrdreg $0x60  }
0xae: {  	[dreg:$0x2] =	wrdreg s24  }
0xaf: {  	[dreg:$0x3] =	wrdreg s2  }
0xb0: {  	[dreg:$0x4] =	wrdreg $0x9  }
0xb1: {  	_ =	task.clear_ibuf [dreg:s7], $0x5FFFF;
	_ =	strace $0x90000046  }
0xb2: {  	s29 =	simm.s32 $0x9;
	_ =	strace $0x80000048  }
0xb3: {  	_ =	swait.ge [sflag:s29], $0x1  }
0xb4: {  	[sflag:s29] =	ssyncadd.s32 $0xFFFFFFFF  }
0xb5: {  	_ =	strace $0x90000048  }
0xb6: {  	_ =	sfence  }
0xb7: {  	s30 =	sld [smem:$0x0];
	_ =	sdelay $0x2  }
0xb8: {  	s31 =	sshll.u32 s1, $0xD;
	s1 =	sshrl.u32 s1, $0x2  }
0xb9: {  	s3 =	sand.u32 $0x4000, s31;
	s1 =	sadd.s32 s1, s30  }
0xba: {  	s0 =	sor.u32 s3, s0;
	s1 =	sshll.u32 s1, $0x11  }
0xbb: {  	s0 =	sor.u32 s1, s0  }
0xbc: {  	s0 =	sadd.s32 $0x8F2B, s0  }
0xbd: {  	[sflag:s0] =	ssyncadd.remote.s32 $0x1  }
0xbe: {  	_ =	sfence.sel $0xFFFF  }
0xbf: {  	[dreg:$0x0] =	wrdreg $0xFFFFFFFF;
	(pc) =	sbr.abs _section_cstart, $3  }
0xc0: {  	[dreg:$0x1] =	wrdreg $0xFFFFFFFF  }
0xc1: {  	_ =	task.clear_ibuf [dreg:s7], $0x2FFFF;
	_ =	strace $0x9FFFFFFF  }
0xc2: {  	(tm) =	ssettm $0x7FFFFFFF  }
0xc3: {  	_ =	shalt  }
tec
execute0_lowered:
.L_overlay_start_1:
0x0: {  	(tag) =	ssettag $0x1  }
0x1: {  	s1 =	rddreg [dreg:$0x0]  }
0x2: {  	s2 =	rddreg [dreg:$0x1]  }
0x3: {  	s0 =	rddreg [dreg:$0x2];
	s3 =	simm.s32 $0x0  }
0x4: {  	s4 =	srdreg.scid;
	s10 =	simm.s32 $0x1;
	s11 =	simm.s32 $0x10200  }
0x5: {  	s12 =	simm.s32 $0x0;
	[smem:$0x7FF] =	sst s3;
	s5 =	sand.u32 $0x1, s4  }
0x6: {  	s4 =	stileid.u32;
	_ =	strace $0x80000047;
	s6 =	ssub.s32 $0x2, s5  }
0x7: {  	s8 =	sshll.u32 s4, $0x8;
	s9 =	sshll.u32 s5, $0x7;
	s7 =	sshrl.u32 s6, $0x1  }
0x8: {  	s5 =	sadd.s32 $0x40000, s1;
	s7 =	ssub.s32 s6, s7;
	s6 =	sor.u32 s9, s8  }
0x9: {  	s8 =	simm.s32 $0x2;
	s9 =	simm.s32 $0x200;
	s7 =	smax.u32 s7, $0x1  }
.LBB2_1:
0xa: {  	s13 =	simm.s32 $0x0  }
.LBB2_2:
0xb: {  	s14 =	sshll.u32 s13, $0x5  }
0xc: {  	s14 =	sadd.s32 s6, s14  }
0xd: {  	s15 =	sshll.u32 s14, $0x1  }
0xe: {  	s16 =	simm.s32 $0x0;
	s15 =	sadd.s32 s2, s15  }
0xf: {  	[tilespmem:s16], [sflag:$0x2] =	stream.linear.gather [hbm4b:s15+s16], $0x200, $0x38;
	[tilespmem:$0x11200] =	vst v63  }
0x10: {  	_ =	swait.ge [sflag:s8], $0x200  }
0x11: {  	[sflag:s8] =	ssyncset.done $0x0  }
0x12: {  	[sflag:s8] =	ssyncadd.s32 $0xFFFFFE00  }
0x13: {  	[tilespmem:s9], [sflag:$0x1] =	stream.indirect.gather [hbm4b:s1+s9], $0x80, s16, s9, $0xb8;
	[tilespmem:$0x11200] =	vst v63  }
0x14: {  	_ =	swait.ge [sflag:s10], $0x10000  }
0x15: {  	[sflag:s10] =	ssyncset.done $0x0  }
0x16: {  	s15 =	simm.s32 $0x600;
	[sflag:s10] =	ssyncadd.s32 $0xFFFF0000  }
0x17: {  	v0 =	vld [tilespmem:s15+$0xFFFFFC80]  }
0x18: {  	v1 =	vld [tilespmem:s15+$0xFFFFFC00]  }
0x19: {  	v2 =	vld [tilespmem:s15+$0xFFFFFD00]  }
0x1a: {  	v3 =	vld [tilespmem:s15+$0xFFFFFD80]  }
0x1b: {  	v4 =	vld [tilespmem:s15+$0xFFFFFE00]  }
0x1c: {  	v5 =	vld [tilespmem:s15+$0xFFFFFE80]  }
0x1d: {  	v0 =	vmax.f32 v1, v0;
	v1 =	vld [tilespmem:s15+$0xFFFFFF00]  }
0x1e: {  	v0 =	vmax.f32 v0, v2;
	v2 =	vld [tilespmem:s15+$0xFFFFFF80]  }
0x1f: {  	v0 =	vmax.f32 v0, v3;
	v3 =	vld [tilespmem:s15+$0x0]  }
0x20: {  	v0 =	vmax.f32 v0, v4;
	v4 =	vld [tilespmem:s15+$0x80]  }
0x21: {  	v0 =	vmax.f32 v0, v5;
	v5 =	vld [tilespmem:s15+$0x100]  }
0x22: {  	v0 =	vmax.f32 v0, v1;
	v1 =	vld [tilespmem:s15+$0x180]  }
0x23: {  	v0 =	vmax.f32 v0, v2;
	v2 =	vld [tilespmem:s15+$0x200]  }
0x24: {  	v0 =	vmax.f32 v0, v3;
	v3 =	vld [tilespmem:s15+$0x280]  }
0x25: {  	v0 =	vmax.f32 v0, v4;
	v4 =	vld [tilespmem:s15+$0x300]  }
0x26: {  	v0 =	vmax.f32 v0, v5;
	v5 =	vld [tilespmem:s15+$0x380]  }
0x27: {  	v0 =	vmax.f32 v0, v1  }
0x28: {  	v0 =	vmax.f32 v0, v2  }
0x29: {  	v0 =	vmax.f32 v0, v3  }
0x2a: {  	v0 =	vmax.f32 v0, v4  }
0x2b: {  	s16 =	simm.s32 $0x0;
	v0 =	vmax.f32 v0, v5  }
0x2c: {  	[tilespmem:s16+$0x10200] =	vst v0  }
0x2d: {  	v0 =	vld [tilespmem:s15+$0xFFFFFC10]  }
0x2e: {  	v1 =	vld [tilespmem:s15+$0xFFFFFC90]  }
0x2f: {  	v2 =	vld [tilespmem:s15+$0xFFFFFD10]  }
0x30: {  	v3 =	vld [tilespmem:s15+$0xFFFFFD90]  }
0x31: {  	v4 =	vld [tilespmem:s15+$0xFFFFFE10]  }
0x32: {  	v5 =	vld [tilespmem:s15+$0xFFFFFE90]  }
0x33: {  	v0 =	vmax.f32 v0, v1;
	v1 =	vld [tilespmem:s15+$0xFFFFFF10]  }
0x34: {  	v0 =	vmax.f32 v0, v2;
	v2 =	vld [tilespmem:s15+$0xFFFFFF90]  }
0x35: {  	v0 =	vmax.f32 v0, v3;
	v3 =	vld [tilespmem:s15+$0x10]  }
0x36: {  	v0 =	vmax.f32 v0, v4;
	v4 =	vld [tilespmem:s15+$0x90]  }
0x37: {  	v0 =	vmax.f32 v0, v5;
	v5 =	vld [tilespmem:s15+$0x110]  }
0x38: {  	v0 =	vmax.f32 v0, v1;
	v1 =	vld [tilespmem:s15+$0x190]  }
0x39: {  	v0 =	vmax.f32 v0, v2;
	v2 =	vld [tilespmem:s15+$0x210]  }
0x3a: {  	v0 =	vmax.f32 v0, v3;
	v3 =	vld [tilespmem:s15+$0x290]  }
0x3b: {  	v0 =	vmax.f32 v0, v4;
	v4 =	vld [tilespmem:s15+$0x310]  }
0x3c: {  	v0 =	vmax.f32 v0, v5;
	v5 =	vld [tilespmem:s15+$0x390]  }
0x3d: {  	v0 =	vmax.f32 v0, v1  }
0x3e: {  	v0 =	vmax.f32 v0, v2  }
0x3f: {  	v0 =	vmax.f32 v0, v3  }
0x40: {  	v0 =	vmax.f32 v0, v4  }
0x41: {  	v0 =	vmax.f32 v0, v5  }
0x42: {  	[tilespmem:s16+$0x10210] =	vst v0  }
0x43: {  	v0 =	vld [tilespmem:s15+$0xFFFFFC20]  }
0x44: {  	v1 =	vld [tilespmem:s15+$0xFFFFFCA0]  }
0x45: {  	v2 =	vld [tilespmem:s15+$0xFFFFFD20]  }
0x46: {  	v3 =	vld [tilespmem:s15+$0xFFFFFDA0]  }
0x47: {  	v4 =	vld [tilespmem:s15+$0xFFFFFE20]  }
0x48: {  	v5 =	vld [tilespmem:s15+$0xFFFFFEA0]  }
0x49: {  	v0 =	vmax.f32 v0, v1;
	v1 =	vld [tilespmem:s15+$0xFFFFFF20]  }
0x4a: {  	v0 =	vmax.f32 v0, v2;
	v2 =	vld [tilespmem:s15+$0xFFFFFFA0]  }
0x4b: {  	v0 =	vmax.f32 v0, v3;
	v3 =	vld [tilespmem:s15+$0x20]  }
0x4c: {  	v0 =	vmax.f32 v0, v4;
	v4 =	vld [tilespmem:s15+$0xA0]  }
0x4d: {  	v0 =	vmax.f32 v0, v5;
	v5 =	vld [tilespmem:s15+$0x120]  }
0x4e: {  	v0 =	vmax.f32 v0, v1;
	v1 =	vld [tilespmem:s15+$0x1A0]  }
0x4f: {  	v0 =	vmax.f32 v0, v2;
	v2 =	vld [tilespmem:s15+$0x220]  }
0x50: {  	v0 =	vmax.f32 v0, v3;
	v3 =	vld [tilespmem:s15+$0x2A0]  }
0x51: {  	v0 =	vmax.f32 v0, v4;
	v4 =	vld [tilespmem:s15+$0x320]  }
0x52: {  	v0 =	vmax.f32 v0, v5;
	v5 =	vld [tilespmem:s15+$0x3A0]  }
0x53: {  	v0 =	vmax.f32 v0, v1  }
0x54: {  	v0 =	vmax.f32 v0, v2  }
0x55: {  	v0 =	vmax.f32 v0, v3  }
0x56: {  	v0 =	vmax.f32 v0, v4  }
0x57: {  	v0 =	vmax.f32 v0, v5  }
0x58: {  	[tilespmem:s16+$0x10220] =	vst v0  }
0x59: {  	v0 =	vld [tilespmem:s15+$0xFFFFFC30]  }
0x5a: {  	v1 =	vld [tilespmem:s15+$0xFFFFFCB0]  }
0x5b: {  	v2 =	vld [tilespmem:s15+$0xFFFFFD30]  }
0x5c: {  	v3 =	vld [tilespmem:s15+$0xFFFFFDB0]  }
0x5d: {  	v4 =	vld [tilespmem:s15+$0xFFFFFE30]  }
0x5e: {  	v5 =	vld [tilespmem:s15+$0xFFFFFEB0]  }
0x5f: {  	v0 =	vmax.f32 v0, v1;
	v1 =	vld [tilespmem:s15+$0xFFFFFF30]  }
0x60: {  	v0 =	vmax.f32 v0, v2;
	v2 =	vld [tilespmem:s15+$0xFFFFFFB0]  }
0x61: {  	v0 =	vmax.f32 v0, v3;
	v3 =	vld [tilespmem:s15+$0x30]  }
0x62: {  	v0 =	vmax.f32 v0, v4;
	v4 =	vld [tilespmem:s15+$0xB0]  }
0x63: {  	v0 =	vmax.f32 v0, v5;
	v5 =	vld [tilespmem:s15+$0x130]  }
0x64: {  	v6 =	vld [tilespmem:s15+$0x1B0];
	v0 =	vmax.f32 v0, v1  }
0x65: {  	v0 =	vmax.f32 v0, v2  }
0x66: {  	v1 =	vld [tilespmem:s15+$0x230];
	v2 =	vmax.f32 v0, v3  }
0x67: {  	v0 =	vld [tilespmem:s15+$0x2B0];
	v3 =	vmax.f32 v2, v4  }
0x68: {  	v2 =	vld [tilespmem:s15+$0x330];
	v4 =	vmax.f32 v3, v5  }
0x69: {  	s17 =	simm.s32 $0x200;
	v3 =	vld [tilespmem:s15+$0x3B0];
	v4 =	vmax.f32 v4, v6  }
.LBB2_3:
0x6a: {  	p0 =	sne.s32 s17, $0x3E00  }
0x6b: {  	v1 =	vmax.f32 v4, v1;
	s15 =	sadd.s32 $0x800, s15;
	s18 =	smov.u32 s17;
	s17 =	sadd.s32 $0x200, s17  }
0x6c: {  	v0 =	vmax.f32 v1, v0  }
0x6d: {  	v0 =	vmax.f32 v0, v2  }
0x6e: {  	v0 =	vmax.f32 v0, v3  }
0x6f: {  	[tilespmem:s16+$0x10230] =	vst v0;
	_ =	sdelay $0x1  }
0x70: {  	v0 =	vld [tilespmem:s15+$0xFFFFFC80]  }
0x71: {  	v1 =	vld [tilespmem:s15+$0xFFFFFC00]  }
0x72: {  	v2 =	vld [tilespmem:s15+$0xFFFFFD00]  }
0x73: {  	v3 =	vld [tilespmem:s15+$0xFFFFFD80]  }
0x74: {  	v4 =	vld [tilespmem:s15+$0xFFFFFE00]  }
0x75: {  	v5 =	vld [tilespmem:s15+$0xFFFFFE80]  }
0x76: {  	v0 =	vmax.f32 v1, v0;
	v1 =	vld [tilespmem:s15+$0xFFFFFF00]  }
0x77: {  	v0 =	vmax.f32 v0, v2;
	v2 =	vld [tilespmem:s15+$0xFFFFFF80]  }
0x78: {  	v0 =	vmax.f32 v0, v3;
	v3 =	vld [tilespmem:s15+$0x0]  }
0x79: {  	v0 =	vmax.f32 v0, v4;
	v4 =	vld [tilespmem:s15+$0x80]  }
0x7a: {  	v0 =	vmax.f32 v0, v5;
	v5 =	vld [tilespmem:s15+$0x100]  }
0x7b: {  	v0 =	vmax.f32 v0, v1;
	v1 =	vld [tilespmem:s15+$0x180]  }
0x7c: {  	v0 =	vmax.f32 v0, v2;
	v2 =	vld [tilespmem:s15+$0x200]  }
0x7d: {  	v0 =	vmax.f32 v0, v3;
	v3 =	vld [tilespmem:s15+$0x280]  }
0x7e: {  	v0 =	vmax.f32 v0, v4;
	v4 =	vld [tilespmem:s15+$0x300]  }
0x7f: {  	v0 =	vmax.f32 v0, v5;
	v5 =	vld [tilespmem:s15+$0x380]  }
0x80: {  	v0 =	vmax.f32 v0, v1  }
0x81: {  	v0 =	vmax.f32 v0, v2  }
0x82: {  	v0 =	vmax.f32 v0, v3  }
0x83: {  	v0 =	vmax.f32 v0, v4  }
0x84: {  	s16 =	sshra.s32 s18, $0x2;
	v0 =	vmax.f32 v0, v5  }
0x85: {  	[tilespmem:s16+$0x10200] =	vst v0  }
0x86: {  	v0 =	vld [tilespmem:s15+$0xFFFFFC10]  }
0x87: {  	v1 =	vld [tilespmem:s15+$0xFFFFFC90]  }
0x88: {  	v2 =	vld [tilespmem:s15+$0xFFFFFD10]  }
0x89: {  	v3 =	vld [tilespmem:s15+$0xFFFFFD90]  }
0x8a: {  	v4 =	vld [tilespmem:s15+$0xFFFFFE10]  }
0x8b: {  	v5 =	vld [tilespmem:s15+$0xFFFFFE90]  }
0x8c: {  	v0 =	vmax.f32 v0, v1;
	v1 =	vld [tilespmem:s15+$0xFFFFFF10]  }
0x8d: {  	v0 =	vmax.f32 v0, v2;
	v2 =	vld [tilespmem:s15+$0xFFFFFF90]  }
0x8e: {  	v0 =	vmax.f32 v0, v3;
	v3 =	vld [tilespmem:s15+$0x10]  }
0x8f: {  	v0 =	vmax.f32 v0, v4;
	v4 =	vld [tilespmem:s15+$0x90]  }
0x90: {  	v0 =	vmax.f32 v0, v5;
	v5 =	vld [tilespmem:s15+$0x110]  }
0x91: {  	v0 =	vmax.f32 v0, v1;
	v1 =	vld [tilespmem:s15+$0x190]  }
0x92: {  	v0 =	vmax.f32 v0, v2;
	v2 =	vld [tilespmem:s15+$0x210]  }
0x93: {  	v0 =	vmax.f32 v0, v3;
	v3 =	vld [tilespmem:s15+$0x290]  }
0x94: {  	v0 =	vmax.f32 v0, v4;
	v4 =	vld [tilespmem:s15+$0x310]  }
0x95: {  	v0 =	vmax.f32 v0, v5;
	v5 =	vld [tilespmem:s15+$0x390]  }
0x96: {  	v0 =	vmax.f32 v0, v1  }
0x97: {  	v0 =	vmax.f32 v0, v2  }
0x98: {  	v0 =	vmax.f32 v0, v3  }
0x99: {  	v0 =	vmax.f32 v0, v4  }
0x9a: {  	v0 =	vmax.f32 v0, v5  }
0x9b: {  	[tilespmem:s16+$0x10210] =	vst v0  }
0x9c: {  	v0 =	vld [tilespmem:s15+$0xFFFFFC20]  }
0x9d: {  	v1 =	vld [tilespmem:s15+$0xFFFFFCA0]  }
0x9e: {  	v2 =	vld [tilespmem:s15+$0xFFFFFD20]  }
0x9f: {  	v3 =	vld [tilespmem:s15+$0xFFFFFDA0]  }
0xa0: {  	v4 =	vld [tilespmem:s15+$0xFFFFFE20]  }
0xa1: {  	v5 =	vld [tilespmem:s15+$0xFFFFFEA0]  }
0xa2: {  	v0 =	vmax.f32 v0, v1;
	v1 =	vld [tilespmem:s15+$0xFFFFFF20]  }
0xa3: {  	v0 =	vmax.f32 v0, v2;
	v2 =	vld [tilespmem:s15+$0xFFFFFFA0]  }
0xa4: {  	v0 =	vmax.f32 v0, v3;
	v3 =	vld [tilespmem:s15+$0x20]  }
0xa5: {  	v0 =	vmax.f32 v0, v4;
	v4 =	vld [tilespmem:s15+$0xA0]  }
0xa6: {  	v0 =	vmax.f32 v0, v5;
	v5 =	vld [tilespmem:s15+$0x120]  }
0xa7: {  	v0 =	vmax.f32 v0, v1;
	v1 =	vld [tilespmem:s15+$0x1A0]  }
0xa8: {  	v0 =	vmax.f32 v0, v2;
	v2 =	vld [tilespmem:s15+$0x220]  }
0xa9: {  	v0 =	vmax.f32 v0, v3;
	v3 =	vld [tilespmem:s15+$0x2A0]  }
0xaa: {  	v0 =	vmax.f32 v0, v4;
	v4 =	vld [tilespmem:s15+$0x320]  }
0xab: {  	v0 =	vmax.f32 v0, v5;
	v5 =	vld [tilespmem:s15+$0x3A0]  }
0xac: {  	v0 =	vmax.f32 v0, v1  }
0xad: {  	v0 =	vmax.f32 v0, v2  }
0xae: {  	v0 =	vmax.f32 v0, v3  }
0xaf: {  	v0 =	vmax.f32 v0, v4  }
0xb0: {  	v0 =	vmax.f32 v0, v5  }
0xb1: {  	[tilespmem:s16+$0x10220] =	vst v0  }
0xb2: {  	v0 =	vld [tilespmem:s15+$0xFFFFFC30]  }
0xb3: {  	v1 =	vld [tilespmem:s15+$0xFFFFFCB0]  }
0xb4: {  	v2 =	vld [tilespmem:s15+$0xFFFFFD30]  }
0xb5: {  	v3 =	vld [tilespmem:s15+$0xFFFFFDB0]  }
0xb6: {  	v4 =	vld [tilespmem:s15+$0xFFFFFE30]  }
0xb7: {  	v5 =	vld [tilespmem:s15+$0xFFFFFEB0]  }
0xb8: {  	v0 =	vmax.f32 v0, v1;
	v1 =	vld [tilespmem:s15+$0xFFFFFF30]  }
0xb9: {  	v0 =	vmax.f32 v0, v2;
	v2 =	vld [tilespmem:s15+$0xFFFFFFB0]  }
0xba: {  	v0 =	vmax.f32 v0, v3;
	v3 =	vld [tilespmem:s15+$0x30]  }
0xbb: {  	v0 =	vmax.f32 v0, v4;
	v4 =	vld [tilespmem:s15+$0xB0]  }
0xbc: {  	v0 =	vmax.f32 v0, v5;
	v5 =	vld [tilespmem:s15+$0x130]  }
0xbd: {  	v0 =	vmax.f32 v0, v1;
	v6 =	vld [tilespmem:s15+$0x1B0]  }
.Ltmp0:
0xbe: {  	v0 =	vmax.f32 v0, v2;
	v1 =	vld [tilespmem:s15+$0x230];
	(pc) =	sbr.rel @p0 .LBB2_3-.Ltmp0, $4  }
0xbf: {  	v2 =	vmax.f32 v0, v3;
	v0 =	vld [tilespmem:s15+$0x2B0]  }
0xc0: {  	v3 =	vmax.f32 v2, v4;
	v2 =	vld [tilespmem:s15+$0x330]  }
0xc1: {  	v4 =	vmax.f32 v3, v5;
	v3 =	vld [tilespmem:s15+$0x3B0]  }
0xc2: {  	v4 =	vmax.f32 v4, v6  }
0xc3: {  	v1 =	vmax.f32 v4, v1  }
0xc4: {  	v0 =	vmax.f32 v1, v0  }
0xc5: {  	s13 =	sadd.s32 $0x1, s13;
	v0 =	vmax.f32 v0, v2  }
0xc6: {  	s14 =	sshll.u32 s14, $0x4;
	p0 =	sne.s32 s13, $0x4;
	v0 =	vmax.f32 v0, v3  }
.Ltmp1:
0xc7: {  	s14 =	sadd.s32 s5, s14;
	[tilespmem:s16+$0x10230] =	vst v0;
	(pc) =	sbr.rel @p0 .LBB2_2-.Ltmp1, $4  }
0xc8: {  	[hbm4b:s14+s3] =	stream.linear.scatter [tilespmem:s11], [sflag:$0x2], $0x1000, $0x38;
	[tilespmem:$0x11200] =	vst v63  }
0xc9: {  	_ =	swait.ge [sflag:s8], $0x1000  }
0xca: {  	[sflag:s8] =	ssyncset.done $0x0  }
0xcb: {  	[sflag:s8] =	ssyncadd.s32 $0xFFFFF000  }
0xcc: {  	s12 =	sadd.s32 $0x1, s12  }
0xcd: {  	p0 =	sne.s32 s12, s7  }
.Ltmp2:
0xce: {  	_ = 	snop;
	(pc) =	sbr.rel @p0 .LBB2_1-.Ltmp2, $1  }
0xcf: {  	_ =	sdelay $0x3  }
0xd0: {  	_ =	sfence.sel $0x180000  }
0xd1: {  	[bflag:$0x0] =	sbarrier.arrive $0xFFFF  }
0xd2: {  	p0 =	sne.s32 s4, $0x0;
	_ =	strace $0x90000047  }
0xd3: {  	s0 =	sadd.s32 @!p0 $0x100000, s0;
	[bflag:$0x2] =	sbarrier.arrive $0xFFFF  }
0xd4: {  	[sflag:s0] =	ssyncadd.tile.s32 @!p0 $0x1;
	_ =	shalt  }
.Lfunc_end2:
_tile_overlayer_lowered:
.L_overlay_start_2:
0xd5: {  	(tag) =	ssettag $0x2  }
0xd6: {  	s0 =	rddreg [dreg:$0x0];
	s2 =	stileid.u32  }
0xd7: {  	s1 =	rddreg [dreg:$0x1];
	p0 =	sne.s32 s2, $0x0  }
0xd8: {  	s3 =	rddreg [dreg:$0x2];
	[bflag:$0x3] =	sbarrier.arrive $0xFFFF;
	s2 =	simm.s32 @!p0 $0x1C02  }
0xd9: {  	[timem:s3], [sflag:s2] =	dma.local @!p0 [hbm:s0], s1  }
0xda: {  	s0 =	simm.s32 @!p0 $0x2  }
0xdb: {  	_ =	swait.ge @!p0 [sflag:s0], s1  }
0xdc: {  	s1 =	ssub.s32 @!p0 $0x0, s1;
	[sflag:s0] =	ssyncset.done @!p0 $0x0  }
0xdd: {  	[sflag:s0] =	ssyncadd.s32 @!p0 s1  }
0xde: {  	[bflag:$0x3] =	sbarrier.arrive $0xFFFF  }
0xdf: {  	_ =	shalt  }

</sc_bundles>
